<compile_context>
chip_gen: v7x
topology: tpu7x:2x2x1
jax: 0.10.2.dev20260603
libtpu: 0.0.44.dev20260713+nightly
codegen_flags: <defaults>
</compile_context>

<pallas_src>
import functools

import jax
import jax.numpy as jnp
from jax import lax
from jax.experimental import pallas as pl
from jax.experimental.pallas import tpu as pltpu
from jax.experimental.pallas import tpu_sc as plsc

HID = 128
RBF = 32
L = 16
NTILES = 32
FPT = HID // NTILES
CH = 4000
G = 2048
NBLK = 1280
DMAX = 6.4


def _ssp(v):
    return jnp.maximum(v, 0.0) + jnp.log(1.0 + jnp.exp(-jnp.abs(v))) - 0.5


def _wid():
    return lax.axis_index("s") * 2 + lax.axis_index("c")



def _geom_body(e, n, ept, n_pad, ei_hbm, xtf_hbm, d2_out, deg_out,
               x0v, x1v, x2v, ivb, jvb, d2b, degb):
    wid = _wid()
    base = wid * ept
    pltpu.sync_copy(xtf_hbm.at[pl.ds(0, n)], x0v)
    pltpu.sync_copy(xtf_hbm.at[pl.ds(n, n)], x1v)
    pltpu.sync_copy(xtf_hbm.at[pl.ds(2 * n, n)], x2v)
    pltpu.sync_copy(ei_hbm.at[pl.ds(base, ept)], ivb)
    pltpu.sync_copy(ei_hbm.at[pl.ds(e + base, ept)], jvb)

    zf = jnp.zeros((L,), jnp.float32)

    @plsc.parallel_loop(0, n_pad, step=L, unroll=2)
    def _zero(off):
        degb[pl.ds(off, L)] = zf

    ones = jnp.full((L,), 1.0, jnp.float32)

    @plsc.parallel_loop(0, ept, step=L, unroll=1)
    def _edges(off):
        iv = ivb[pl.ds(off, L)]
        jv = jvb[pl.ds(off, L)]
        d0 = plsc.load_gather(x0v, [iv]) - plsc.load_gather(x0v, [jv])
        d1 = plsc.load_gather(x1v, [iv]) - plsc.load_gather(x1v, [jv])
        d2 = plsc.load_gather(x2v, [iv]) - plsc.load_gather(x2v, [jv])
        d2b[pl.ds(off, L)] = d0 * d0 + d1 * d1 + d2 * d2
        plsc.addupdate_scatter(degb, [iv], ones)

    pltpu.sync_copy(d2b, d2_out.at[pl.ds(base, ept)])
    pltpu.sync_copy(degb, deg_out.at[wid])



def _scatter_body(e, nch, n_pad, ei_hbm, p_hbm, wlutT_hbm, hT_hbm,
                  aggrT_out, hT4, acc, wlut4,
                  ibuf0, ibuf1, pbuf0, pbuf1, sem0, sem1):
    wid = _wid()
    f0 = wid * FPT
    p0 = wid * (FPT // 2)
    pltpu.sync_copy(hT_hbm.at[pl.ds(p0, FPT // 2)], hT4)
    pltpu.sync_copy(wlutT_hbm.at[pl.ds(p0, FPT // 2)], wlut4)

    zf = jnp.zeros((L,), jnp.float32)

    @plsc.parallel_loop(0, n_pad, step=L, unroll=2)
    def _zero(off):
        for f in range(FPT):
            acc[f, pl.ds(off, L)] = zf

    fvs = [jnp.full((L,), f, jnp.int32) for f in range(FPT)]
    pvs = [jnp.full((L,), p, jnp.int32) for p in range(FPT // 2)]
    m14 = jnp.full((L,), 16383, jnp.int32)
    s14 = jnp.full((L,), 14, jnp.int32)
    s16 = jnp.full((L,), 16, jnp.int32)
    mhi = jnp.full((L,), -65536, jnp.int32)
    bufs = ((ibuf0, pbuf0, sem0), (ibuf1, pbuf1, sem1))

    def _start(c, slot):
        ib, pb, sem = bufs[slot]
        eoff = c * CH
        pltpu.async_copy(ei_hbm.at[pl.ds(eoff, CH)], ib, sem)
        pltpu.async_copy(p_hbm.at[pl.ds(eoff, CH)], pb, sem)

    def _drain(slot):
        ib, pb, sem = bufs[slot]
        pltpu.make_async_copy(ei_hbm.at[pl.ds(0, CH)], ib, sem).wait()
        pltpu.make_async_copy(p_hbm.at[pl.ds(0, CH)], pb, sem).wait()

    _start(0, 0)

    def outer(g, carry):
        for b in range(2):
            c = g * 2 + b
            _drain(b)

            @pl.when(c + 1 < nch)
            def _():
                _start(c + 1, 1 - b)

            ib, pb, _sem = bufs[b]

            @plsc.parallel_loop(0, CH, step=L, unroll=1)
            def _inner(off):
                iv = ib[pl.ds(off, L)]
                pv = pb[pl.ds(off, L)]
                jv = lax.bitwise_and(pv, m14)
                kv = lax.shift_right_logical(pv, s14)
                for p in range(FPT // 2):
                    wp = plsc.load_gather(wlut4, [pvs[p], kv])
                    hp = plsc.load_gather(hT4, [pvs[p], jv])
                    wlo = plsc.bitcast(lax.shift_left(wp, s16), jnp.float32)
                    hlo = plsc.bitcast(lax.shift_left(hp, s16), jnp.float32)
                    whi = plsc.bitcast(lax.bitwise_and(wp, mhi), jnp.float32)
                    hhi = plsc.bitcast(lax.bitwise_and(hp, mhi), jnp.float32)
                    plsc.addupdate_scatter(acc, [fvs[p], iv], wlo * hlo)
                    plsc.addupdate_scatter(acc, [fvs[p + 2], iv], whi * hhi)
        return carry
    lax.fori_loop(0, nch // 2, outer, 0)

    half = FPT // 2
    pltpu.sync_copy(acc.at[pl.ds(0, half)], aggrT_out.at[pl.ds(p0, half)])
    pltpu.sync_copy(acc.at[pl.ds(half, half)],
                    aggrT_out.at[pl.ds(HID // 2 + p0, half)])



def _lut_body(fW1_ref, fb1_ref, fW2_ref, fb2_ref, out_ref):
    d = lax.broadcasted_iota(jnp.int32, (G, 1), 0).astype(
        jnp.float32) * (DMAX / (G - 1))
    centers = lax.broadcasted_iota(jnp.int32, (1, RBF), 1).astype(
        jnp.float32) * (5.0 / (RBF - 1))
    t = d - centers
    rbf = jnp.exp(-10.0 * t * t)
    a = jnp.dot(rbf, fW1_ref[...], preferred_element_type=jnp.float32)
    a = _ssp(a + fb1_ref[...])
    w = jnp.dot(a, fW2_ref[...], preferred_element_type=jnp.float32)
    out_ref[...] = _pack_pairs((w + fb2_ref[...]).T)


def _quant_body(d2_ref, j_ref, p_ref):
    d = jnp.sqrt(d2_ref[...] + 1e-12)
    k = (d * ((G - 1) / DMAX) + 0.5).astype(jnp.int32)
    p_ref[...] = j_ref[...] + jnp.minimum(k, G - 1) * 16384


def _pack_pairs(m):
    bi = lax.bitcast_convert_type(m, jnp.int32) + 32768
    half = m.shape[0] // 2
    lo = lax.shift_right_logical(bi[:half, :], 16)
    hi = lax.bitwise_and(bi[half:, :], jnp.int32(-65536))
    return lax.bitwise_or(lo, hi)


def _transpose_body(x_ref, o_ref):
    o_ref[...] = _pack_pairs(x_ref[...].T)


def _update_body(aggrT_ref, degP_ref, uW1_ref, ub1_ref, uW2_ref, ub2_ref,
                 out_ref):
    deg = jnp.sum(degP_ref[...], axis=0, keepdims=True)
    an = aggrT_ref[...] / jnp.maximum(deg, 1.0)
    a = an.T
    h1 = _ssp(jnp.dot(a, uW1_ref[...], preferred_element_type=jnp.float32)
              + ub1_ref[...])
    out_ref[...] = (jnp.dot(h1, uW2_ref[...], preferred_element_type=jnp.float32)
                    + ub2_ref[...])



def kernel(h, x, edge_index, fW1, fb1, fW2, fb2, uW1, ub1, uW2, ub2):
    n = h.shape[0]
    e = edge_index.shape[1]

    n_pad = -(-n // NBLK) * NBLK
    assert e % (NTILES * L) == 0 and e % CH == 0 and (e // CH) % 2 == 0
    ept = e // NTILES
    nch = e // CH

    ei = edge_index.astype(jnp.int32).reshape(-1)

    mesh = plsc.VectorSubcoreMesh(core_axis_name="c", subcore_axis_name="s")
    f32 = jnp.float32

    geom = pl.kernel(
        functools.partial(_geom_body, e, n, ept, n_pad),
        out_type=(jax.ShapeDtypeStruct((e,), f32),
                  jax.ShapeDtypeStruct((NTILES, n_pad), f32)),
        mesh=mesh,
        compiler_params=pltpu.CompilerParams(needs_layout_passes=False),
        scratch_types=[
            pltpu.VMEM((n,), f32),
            pltpu.VMEM((n,), f32),
            pltpu.VMEM((n,), f32),
            pltpu.VMEM((ept,), jnp.int32),
            pltpu.VMEM((ept,), jnp.int32),
            pltpu.VMEM((ept,), f32),
            pltpu.VMEM((n_pad,), f32),
        ],
    )
    d2, degP = geom(ei, x.T.reshape(-1))

    wlutT = pl.pallas_call(
        _lut_body,
        out_shape=jax.ShapeDtypeStruct((HID // 2, G), jnp.int32),
    )(fW1, fb1.reshape(1, HID), fW2, fb2.reshape(1, HID))

    pk = pl.pallas_call(
        _quant_body,
        out_shape=jax.ShapeDtypeStruct((e,), jnp.int32),
    )(d2, ei[e:])

    hT = pl.pallas_call(
        _transpose_body,
        grid=(n_pad // NBLK,),
        in_specs=[pl.BlockSpec((NBLK, HID), lambda b: (b, 0))],
        out_specs=pl.BlockSpec((HID // 2, NBLK), lambda b: (0, b)),
        out_shape=jax.ShapeDtypeStruct((HID // 2, n_pad), jnp.int32),
    )(h)

    scat = pl.kernel(
        functools.partial(_scatter_body, e, nch, n_pad),
        out_type=jax.ShapeDtypeStruct((HID, n_pad), f32),
        mesh=mesh,
        compiler_params=pltpu.CompilerParams(needs_layout_passes=False),
        scratch_types=[
            pltpu.VMEM((FPT // 2, n_pad), jnp.int32),
            pltpu.VMEM((FPT, n_pad), f32),
            pltpu.VMEM((FPT // 2, G), jnp.int32),
            pltpu.VMEM((CH,), jnp.int32),
            pltpu.VMEM((CH,), jnp.int32),
            pltpu.VMEM((CH,), jnp.int32),
            pltpu.VMEM((CH,), jnp.int32),
            pltpu.SemaphoreType.DMA,
            pltpu.SemaphoreType.DMA,
        ],
    )
    aggrT = scat(ei, pk, wlutT, hT)

    h_new = pl.pallas_call(
        _update_body,
        grid=(n_pad // NBLK,),
        in_specs=[
            pl.BlockSpec((HID, NBLK), lambda b: (0, b)),
            pl.BlockSpec((NTILES, NBLK), lambda b: (0, b)),
            pl.BlockSpec((HID, HID), lambda b: (0, 0)),
            pl.BlockSpec((1, HID), lambda b: (0, 0)),
            pl.BlockSpec((HID, HID), lambda b: (0, 0)),
            pl.BlockSpec((1, HID), lambda b: (0, 0)),
        ],
        out_specs=pl.BlockSpec((NBLK, HID), lambda b: (b, 0)),
        out_shape=jax.ShapeDtypeStruct((n, HID), f32),
    )(aggrT, degP, uW1, ub1.reshape(1, HID), uW2, ub2.reshape(1, HID))

    return (h_new, x)

# --- scband reference (transcript-rebuilt; emitter-appended) ---
"""Pipeline reference for scband-sch-net-conv-4380866641943 (READ-ONLY COPY).

The authoritative reference and input builder live on the scoring server;
editing this copy changes nothing except your own understanding.
"""

import jax, jax.numpy as jnp
import numpy as np

HIDDEN_DIM = 128
RBF_DIM = 32
N_NODES = 10000
N_EDGES = 320000


def shifted_softplus(x):
    return jax.nn.softplus(x) - 0.5


def setup_inputs(seed: int = 0) -> dict:
    key = jax.random.key(seed)
    ks = jax.random.split(key, 12)
    h = jax.random.normal(ks[0], (N_NODES, HIDDEN_DIM), dtype=jnp.float32)
    x = jax.random.normal(ks[1], (N_NODES, 3), dtype=jnp.float32)
    edge_index = jax.random.randint(ks[2], (2, N_EDGES), 0, N_NODES, dtype=jnp.int64)
    s_f1 = 1.0 / np.sqrt(RBF_DIM)
    s_h = 1.0 / np.sqrt(HIDDEN_DIM)
    fW1 = jax.random.uniform(ks[3], (RBF_DIM, HIDDEN_DIM), jnp.float32, -s_f1, s_f1)
    fb1 = jax.random.uniform(ks[4], (HIDDEN_DIM,), jnp.float32, -s_f1, s_f1)
    fW2 = jax.random.uniform(ks[5], (HIDDEN_DIM, HIDDEN_DIM), jnp.float32, -s_h, s_h)
    fb2 = jax.random.uniform(ks[6], (HIDDEN_DIM,), jnp.float32, -s_h, s_h)
    uW1 = jax.random.uniform(ks[7], (HIDDEN_DIM, HIDDEN_DIM), jnp.float32, -s_h, s_h)
    ub1 = jax.random.uniform(ks[8], (HIDDEN_DIM,), jnp.float32, -s_h, s_h)
    uW2 = jax.random.uniform(ks[9], (HIDDEN_DIM, HIDDEN_DIM), jnp.float32, -s_h, s_h)
    ub2 = jax.random.uniform(ks[10], (HIDDEN_DIM,), jnp.float32, -s_h, s_h)
    return {"h": h, "x": x, "edge_index": edge_index,
            "fW1": fW1, "fb1": fb1, "fW2": fW2, "fb2": fb2,
            "uW1": uW1, "ub1": ub1, "uW2": uW2, "ub2": ub2}


def _rbf_expand(dist):
    # Gaussian RBF expansion (standard SchNet rbf callable): exp(-gamma*(d - mu_k)^2)
    centers = jnp.linspace(0.0, 5.0, RBF_DIM, dtype=jnp.float32)
    gamma = 10.0
    return jnp.exp(-gamma * (dist - centers[None, :]) ** 2)


def reference(h, x, edge_index, fW1, fb1, fW2, fb2, uW1, ub1, uW2, ub2):
    n = h.shape[0]
    i = edge_index[0]
    j = edge_index[1]
    rel_pos = x[i] - x[j]
    dist = jnp.sqrt(jnp.sum(rel_pos * rel_pos, axis=-1, keepdims=True) + 1e-12)
    rbf_feat = _rbf_expand(dist)
    W = shifted_softplus(rbf_feat @ fW1 + fb1) @ fW2 + fb2
    m_ij = h[j] * W
    aggr = jax.ops.segment_sum(m_ij, i, num_segments=n)
    deg = jax.ops.segment_sum(jnp.ones((m_ij.shape[0],), dtype=h.dtype), i, num_segments=n)
    aggr = aggr / jnp.clip(deg, 1.0, None)[:, None]
    h_new = shifted_softplus(aggr @ uW1 + ub1) @ uW2 + ub2
    return (h_new, x)


if False:  # reference __main__ guard neutralized (emitter)
    out = reference(**setup_inputs())
    print(out[0].shape, out[1].shape)

if __name__ == "__main__":
    import jax
    _d = setup_inputs()
    print(jax.jit(kernel)(*tuple(_d.values())))

</pallas_src>

<mosaic_0001>
#map = affine_map<(d0, d1) -> (0)>
#map1 = affine_map<(d0, d1) -> (0, 0)>
module attributes {stable_mosaic.version = 14 : i64} {
  func.func @_scatter_body(%arg0: i32, %arg1: i32, %arg2: memref<640000xi32, #tpu.memory_space<hbm>>, %arg3: memref<320000xi32, #tpu.memory_space<hbm>>, %arg4: memref<64x2048xi32, #tpu.memory_space<hbm>>, %arg5: memref<64x10240xi32, #tpu.memory_space<hbm>>, %arg6: memref<128x10240xf32, #tpu.memory_space<hbm>>, %arg7: memref<2x10240xi32, #tpu.memory_space<vmem>>, %arg8: memref<4x10240xf32, #tpu.memory_space<vmem>>, %arg9: memref<2x2048xi32, #tpu.memory_space<vmem>>, %arg10: memref<4000xi32, #tpu.memory_space<vmem>>, %arg11: memref<4000xi32, #tpu.memory_space<vmem>>, %arg12: memref<4000xi32, #tpu.memory_space<vmem>>, %arg13: memref<4000xi32, #tpu.memory_space<vmem>>, %arg14: memref<!tpu.dma_semaphore, #tpu.memory_space<semaphore_mem>>, %arg15: memref<!tpu.dma_semaphore, #tpu.memory_space<semaphore_mem>>) attributes {dimension_semantics = [#tpu.dimension_semantics<core_parallel>, #tpu.dimension_semantics<subcore_parallel>], iteration_bounds = array<i64: 2, 16>, scalar_prefetch = 0 : i64, scratch_operands = 9 : i64, tpu.core_type = #tpu.core_type<sc_vector_subcore>, window_params = [{transform_indices = #map}, {transform_indices = #map}, {transform_indices = #map1}, {transform_indices = #map1}, {transform_indices = #map1}]} {
    %mul3A = arith.constant 2 : i32
    %mul3A_0 = arith.muli %arg1, %mul3A : i32
    %add3A = arith.addi %mul3A_0, %arg0 : i32
    %mul3A_1 = arith.constant 4 : i32
    %mul3A_2 = arith.muli %add3A, %mul3A_1 : i32
    %mul3A_3 = arith.constant 2 : i32
    %mul3A_4 = arith.muli %add3A, %mul3A_3 : i32
    "tpu.region"() ({
      %run_scoped3A = tpu.sem_alloc : memref<!tpu.dma_semaphore, #tpu.memory_space<semaphore_mem>>
      %dma_start3A_42 = arith.constant 0 : i32
      %dma_start3A_43 = tpu.memref_slice %arg5[%mul3A_4, %dma_start3A_42] : memref<64x10240xi32, #tpu.memory_space<hbm>> -> memref<2x10240xi32, #tpu.memory_space<hbm>>
      %dma_start3A_44 = arith.constant 0 : i32
      %dma_start3A_45 = tpu.memref_slice %arg5[%mul3A_4, %dma_start3A_44] : memref<64x10240xi32, #tpu.memory_space<hbm>> -> memref<2x10240xi32, #tpu.memory_space<hbm>>
      tpu.enqueue_dma source(%dma_start3A_45 : memref<2x10240xi32, #tpu.memory_space<hbm>>) target(%arg7 : memref<2x10240xi32, #tpu.memory_space<vmem>>) target_semaphore(%run_scoped3A : memref<!tpu.dma_semaphore, #tpu.memory_space<semaphore_mem>>)
      %dma_wait3A = arith.constant 0 : i32
      %dma_wait3A_46 = tpu.memref_slice %arg5[%mul3A_4, %dma_wait3A] : memref<64x10240xi32, #tpu.memory_space<hbm>> -> memref<2x10240xi32, #tpu.memory_space<hbm>>
      %dma_wait3A_47 = arith.constant 0 : i32
      %dma_wait3A_48 = tpu.memref_slice %arg5[%mul3A_4, %dma_wait3A_47] : memref<64x10240xi32, #tpu.memory_space<hbm>> -> memref<2x10240xi32, #tpu.memory_space<hbm>>
      tpu.wait_dma2 semaphore(%run_scoped3A : memref<!tpu.dma_semaphore, #tpu.memory_space<semaphore_mem>>) src(%dma_wait3A_48 : memref<2x10240xi32, #tpu.memory_space<hbm>>) dst(%arg7 : memref<2x10240xi32, #tpu.memory_space<vmem>>)
      tpu.yield
    }) : () -> ()
    "tpu.region"() ({
      %run_scoped3A = tpu.sem_alloc : memref<!tpu.dma_semaphore, #tpu.memory_space<semaphore_mem>>
      %dma_start3A_42 = arith.constant 0 : i32
      %dma_start3A_43 = tpu.memref_slice %arg4[%mul3A_4, %dma_start3A_42] : memref<64x2048xi32, #tpu.memory_space<hbm>> -> memref<2x2048xi32, #tpu.memory_space<hbm>>
      %dma_start3A_44 = arith.constant 0 : i32
      %dma_start3A_45 = tpu.memref_slice %arg4[%mul3A_4, %dma_start3A_44] : memref<64x2048xi32, #tpu.memory_space<hbm>> -> memref<2x2048xi32, #tpu.memory_space<hbm>>
      tpu.enqueue_dma source(%dma_start3A_45 : memref<2x2048xi32, #tpu.memory_space<hbm>>) target(%arg9 : memref<2x2048xi32, #tpu.memory_space<vmem>>) target_semaphore(%run_scoped3A : memref<!tpu.dma_semaphore, #tpu.memory_space<semaphore_mem>>)
      %dma_wait3A = arith.constant 0 : i32
      %dma_wait3A_46 = tpu.memref_slice %arg4[%mul3A_4, %dma_wait3A] : memref<64x2048xi32, #tpu.memory_space<hbm>> -> memref<2x2048xi32, #tpu.memory_space<hbm>>
      %dma_wait3A_47 = arith.constant 0 : i32
      %dma_wait3A_48 = tpu.memref_slice %arg4[%mul3A_4, %dma_wait3A_47] : memref<64x2048xi32, #tpu.memory_space<hbm>> -> memref<2x2048xi32, #tpu.memory_space<hbm>>
      tpu.wait_dma2 semaphore(%run_scoped3A : memref<!tpu.dma_semaphore, #tpu.memory_space<semaphore_mem>>) src(%dma_wait3A_48 : memref<2x2048xi32, #tpu.memory_space<hbm>>) dst(%arg9 : memref<2x2048xi32, #tpu.memory_space<vmem>>)
      tpu.yield
    }) : () -> ()
    %broadcast_in_dim3A = arith.constant 0.000000e+00 : f32
    %broadcast_in_dim3A_5 = vector.broadcast %broadcast_in_dim3A : f32 to vector<16xf32>
    %parallel_loop3A = arith.constant 0 : i32
    %parallel_loop3A_6 = arith.constant 10240 : i32
    %parallel_loop3A_7 = arith.constant 16 : i32
    scf.for %parallel_loop3A_42 = %parallel_loop3A to %parallel_loop3A_6 step %parallel_loop3A_7  : i32 {
      %parallel_loop3A_43 = arith.constant 0 : i32
      %parallel_loop3A_44 = arith.index_cast %parallel_loop3A_43 : i32 to index
      %parallel_loop3A_45 = arith.index_cast %parallel_loop3A_42 : i32 to index
      %parallel_loop3A_46 = tpu.vector_load %arg8[%parallel_loop3A_44, %parallel_loop3A_45] {strides = array<i32>} : memref<4x10240xf32, #tpu.memory_space<vmem>>, vector<16xf32>,
      tpu.vector_store %arg8[%parallel_loop3A_44, %parallel_loop3A_45], %broadcast_in_dim3A_5 {strides = array<i32>} : memref<4x10240xf32, #tpu.memory_space<vmem>>, vector<16xf32>,
      %parallel_loop3A_47 = arith.constant 1 : i32
      %parallel_loop3A_48 = arith.index_cast %parallel_loop3A_47 : i32 to index
      %parallel_loop3A_49 = arith.index_cast %parallel_loop3A_42 : i32 to index
      %parallel_loop3A_50 = tpu.vector_load %arg8[%parallel_loop3A_48, %parallel_loop3A_49] {strides = array<i32>} : memref<4x10240xf32, #tpu.memory_space<vmem>>, vector<16xf32>,
      tpu.vector_store %arg8[%parallel_loop3A_48, %parallel_loop3A_49], %broadcast_in_dim3A_5 {strides = array<i32>} : memref<4x10240xf32, #tpu.memory_space<vmem>>, vector<16xf32>,
      %parallel_loop3A_51 = arith.constant 2 : i32
      %parallel_loop3A_52 = arith.index_cast %parallel_loop3A_51 : i32 to index
      %parallel_loop3A_53 = arith.index_cast %parallel_loop3A_42 : i32 to index
      %parallel_loop3A_54 = tpu.vector_load %arg8[%parallel_loop3A_52, %parallel_loop3A_53] {strides = array<i32>} : memref<4x10240xf32, #tpu.memory_space<vmem>>, vector<16xf32>,
      tpu.vector_store %arg8[%parallel_loop3A_52, %parallel_loop3A_53], %broadcast_in_dim3A_5 {strides = array<i32>} : memref<4x10240xf32, #tpu.memory_space<vmem>>, vector<16xf32>,
      %parallel_loop3A_55 = arith.constant 3 : i32
      %parallel_loop3A_56 = arith.index_cast %parallel_loop3A_55 : i32 to index
      %parallel_loop3A_57 = arith.index_cast %parallel_loop3A_42 : i32 to index
      %parallel_loop3A_58 = tpu.vector_load %arg8[%parallel_loop3A_56, %parallel_loop3A_57] {strides = array<i32>} : memref<4x10240xf32, #tpu.memory_space<vmem>>, vector<16xf32>,
      tpu.vector_store %arg8[%parallel_loop3A_56, %parallel_loop3A_57], %broadcast_in_dim3A_5 {strides = array<i32>} : memref<4x10240xf32, #tpu.memory_space<vmem>>, vector<16xf32>,
    } {sc.loop_unroll_factor = 2 : i64, sc.parallel_access}
    %broadcast_in_dim3A_8 = arith.constant 0 : i32
    %broadcast_in_dim3A_9 = vector.broadcast %broadcast_in_dim3A_8 : i32 to vector<16xi32>
    %broadcast_in_dim3A_10 = arith.constant 1 : i32
    %broadcast_in_dim3A_11 = vector.broadcast %broadcast_in_dim3A_10 : i32 to vector<16xi32>
    %broadcast_in_dim3A_12 = arith.constant 2 : i32
    %broadcast_in_dim3A_13 = vector.broadcast %broadcast_in_dim3A_12 : i32 to vector<16xi32>
    %broadcast_in_dim3A_14 = arith.constant 3 : i32
    %broadcast_in_dim3A_15 = vector.broadcast %broadcast_in_dim3A_14 : i32 to vector<16xi32>
    %broadcast_in_dim3A_16 = arith.constant 0 : i32
    %broadcast_in_dim3A_17 = vector.broadcast %broadcast_in_dim3A_16 : i32 to vector<16xi32>
    %broadcast_in_dim3A_18 = arith.constant 1 : i32
    %broadcast_in_dim3A_19 = vector.broadcast %broadcast_in_dim3A_18 : i32 to vector<16xi32>
    %broadcast_in_dim3A_20 = arith.constant 16383 : i32
    %broadcast_in_dim3A_21 = vector.broadcast %broadcast_in_dim3A_20 : i32 to vector<16xi32>
    %broadcast_in_dim3A_22 = arith.constant 14 : i32
    %broadcast_in_dim3A_23 = vector.broadcast %broadcast_in_dim3A_22 : i32 to vector<16xi32>
    %broadcast_in_dim3A_24 = arith.constant 16 : i32
    %broadcast_in_dim3A_25 = vector.broadcast %broadcast_in_dim3A_24 : i32 to vector<16xi32>
    %broadcast_in_dim3A_26 = arith.constant -65536 : i32
    %broadcast_in_dim3A_27 = vector.broadcast %broadcast_in_dim3A_26 : i32 to vector<16xi32>
    %dma_start3A = arith.constant 0 : i32
    %dma_start3A_28 = tpu.memref_slice %arg2[%dma_start3A] : memref<640000xi32, #tpu.memory_space<hbm>> -> memref<4000xi32, #tpu.memory_space<hbm>>
    %dma_start3A_29 = arith.constant 0 : i32
    %dma_start3A_30 = tpu.memref_slice %arg2[%dma_start3A_29] : memref<640000xi32, #tpu.memory_space<hbm>> -> memref<4000xi32, #tpu.memory_space<hbm>>
    tpu.enqueue_dma source(%dma_start3A_30 : memref<4000xi32, #tpu.memory_space<hbm>>) target(%arg10 : memref<4000xi32, #tpu.memory_space<vmem>>) target_semaphore(%arg14 : memref<!tpu.dma_semaphore, #tpu.memory_space<semaphore_mem>>)
    %dma_start3A_31 = arith.constant 0 : i32
    %dma_start3A_32 = tpu.memref_slice %arg3[%dma_start3A_31] : memref<320000xi32, #tpu.memory_space<hbm>> -> memref<4000xi32, #tpu.memory_space<hbm>>
    %dma_start3A_33 = arith.constant 0 : i32
    %dma_start3A_34 = tpu.memref_slice %arg3[%dma_start3A_33] : memref<320000xi32, #tpu.memory_space<hbm>> -> memref<4000xi32, #tpu.memory_space<hbm>>
    tpu.enqueue_dma source(%dma_start3A_34 : memref<4000xi32, #tpu.memory_space<hbm>>) target(%arg12 : memref<4000xi32, #tpu.memory_space<vmem>>) target_semaphore(%arg14 : memref<!tpu.dma_semaphore, #tpu.memory_space<semaphore_mem>>)
    %scan3A = arith.constant 0 : i32
    %scan3A_35 = arith.constant 0 : i32
    %scan3A_36 = arith.constant 40 : i32
    %scan3A_37 = arith.addi %scan3A_35, %scan3A_36 : i32
    %scan3A_38 = arith.constant 1 : i32
    scf.for %scan3A_42 = %scan3A_35 to %scan3A_37 step %scan3A_38  : i32 {
      %mul3A_43 = arith.constant 2 : i32
      %mul3A_44 = arith.muli %scan3A_42, %mul3A_43 : i32
      %add3A_45 = arith.constant 0 : i32
      %add3A_46 = arith.addi %mul3A_44, %add3A_45 : i32
      %dma_wait3A = arith.constant 0 : i32
      %dma_wait3A_47 = tpu.memref_slice %arg2[%dma_wait3A] : memref<640000xi32, #tpu.memory_space<hbm>> -> memref<4000xi32, #tpu.memory_space<hbm>>
      %dma_wait3A_48 = arith.constant 0 : i32
      %dma_wait3A_49 = tpu.memref_slice %arg2[%dma_wait3A_48] : memref<640000xi32, #tpu.memory_space<hbm>> -> memref<4000xi32, #tpu.memory_space<hbm>>
      tpu.wait_dma2 semaphore(%arg14 : memref<!tpu.dma_semaphore, #tpu.memory_space<semaphore_mem>>) src(%dma_wait3A_49 : memref<4000xi32, #tpu.memory_space<hbm>>) dst(%arg10 : memref<4000xi32, #tpu.memory_space<vmem>>)
      %dma_wait3A_50 = arith.constant 0 : i32
      %dma_wait3A_51 = tpu.memref_slice %arg3[%dma_wait3A_50] : memref<320000xi32, #tpu.memory_space<hbm>> -> memref<4000xi32, #tpu.memory_space<hbm>>
      %dma_wait3A_52 = arith.constant 0 : i32
      %dma_wait3A_53 = tpu.memref_slice %arg3[%dma_wait3A_52] : memref<320000xi32, #tpu.memory_space<hbm>> -> memref<4000xi32, #tpu.memory_space<hbm>>
      tpu.wait_dma2 semaphore(%arg14 : memref<!tpu.dma_semaphore, #tpu.memory_space<semaphore_mem>>) src(%dma_wait3A_53 : memref<4000xi32, #tpu.memory_space<hbm>>) dst(%arg12 : memref<4000xi32, #tpu.memory_space<vmem>>)
      %add3A_54 = arith.constant 1 : i32
      %add3A_55 = arith.addi %add3A_46, %add3A_54 : i32
      %lt3A = arith.constant 80 : i32
      %lt3A_56 = arith.cmpi slt, %add3A_55, %lt3A : i32
      %convert_element_type3A = arith.extui %lt3A_56 : i1 to i32
      %cond3A = arith.constant 0 : i32
      %cond3A_57 = arith.cmpi ne, %convert_element_type3A, %cond3A : i32
      scf.if %cond3A_57 {
        %add3A_83 = arith.constant 1 : i32
        %add3A_84 = arith.addi %add3A_46, %add3A_83 : i32
        %mul3A_85 = arith.constant 4000 : i32
        %mul3A_86 = arith.muli %add3A_84, %mul3A_85 : i32
        %dma_start3A_87 = tpu.memref_slice %arg2[%mul3A_86] : memref<640000xi32, #tpu.memory_space<hbm>> -> memref<4000xi32, #tpu.memory_space<hbm>>
        %dma_start3A_88 = tpu.memref_slice %arg2[%mul3A_86] : memref<640000xi32, #tpu.memory_space<hbm>> -> memref<4000xi32, #tpu.memory_space<hbm>>
        tpu.enqueue_dma source(%dma_start3A_88 : memref<4000xi32, #tpu.memory_space<hbm>>) target(%arg11 : memref<4000xi32, #tpu.memory_space<vmem>>) target_semaphore(%arg15 : memref<!tpu.dma_semaphore, #tpu.memory_space<semaphore_mem>>)
        %dma_start3A_89 = tpu.memref_slice %arg3[%mul3A_86] : memref<320000xi32, #tpu.memory_space<hbm>> -> memref<4000xi32, #tpu.memory_space<hbm>>
        %dma_start3A_90 = tpu.memref_slice %arg3[%mul3A_86] : memref<320000xi32, #tpu.memory_space<hbm>> -> memref<4000xi32, #tpu.memory_space<hbm>>
        tpu.enqueue_dma source(%dma_start3A_90 : memref<4000xi32, #tpu.memory_space<hbm>>) target(%arg13 : memref<4000xi32, #tpu.memory_space<vmem>>) target_semaphore(%arg15 : memref<!tpu.dma_semaphore, #tpu.memory_space<semaphore_mem>>)
      } else {
      }
      %parallel_loop3A_58 = arith.constant 0 : i32
      %parallel_loop3A_59 = arith.constant 4000 : i32
      %parallel_loop3A_60 = arith.constant 16 : i32
      scf.for %parallel_loop3A_83 = %parallel_loop3A_58 to %parallel_loop3A_59 step %parallel_loop3A_60  : i32 {
        %parallel_loop3A_84 = arith.index_cast %parallel_loop3A_83 : i32 to index
        %parallel_loop3A_85 = tpu.vector_load %arg10[%parallel_loop3A_84] {strides = array<i32>} : memref<4000xi32, #tpu.memory_space<vmem>>, vector<16xi32>,
        %parallel_loop3A_86 = arith.index_cast %parallel_loop3A_83 : i32 to index
        %parallel_loop3A_87 = tpu.vector_load %arg12[%parallel_loop3A_86] {strides = array<i32>} : memref<4000xi32, #tpu.memory_space<vmem>>, vector<16xi32>,
        %parallel_loop3A_88 = arith.andi %parallel_loop3A_87, %broadcast_in_dim3A_21 : vector<16xi32>
        %parallel_loop3A_89 = arith.shrui %parallel_loop3A_87, %broadcast_in_dim3A_23 : vector<16xi32>
        %parallel_loop3A_90 = tpu.vector_load_idx %arg9[%broadcast_in_dim3A_17, %parallel_loop3A_89] : memref<2x2048xi32, #tpu.memory_space<vmem>>[vector<16xi32>, vector<16xi32>], vector<16xi32>,
        %parallel_loop3A_91 = tpu.vector_load_idx %arg7[%broadcast_in_dim3A_17, %parallel_loop3A_88] : memref<2x10240xi32, #tpu.memory_space<vmem>>[vector<16xi32>, vector<16xi32>], vector<16xi32>,
        %parallel_loop3A_92 = arith.shli %parallel_loop3A_90, %broadcast_in_dim3A_25 : vector<16xi32>
        %parallel_loop3A_93 = vector.bitcast %parallel_loop3A_92 : vector<16xi32> to vector<16xf32>
        %parallel_loop3A_94 = arith.shli %parallel_loop3A_91, %broadcast_in_dim3A_25 : vector<16xi32>
        %parallel_loop3A_95 = vector.bitcast %parallel_loop3A_94 : vector<16xi32> to vector<16xf32>
        %parallel_loop3A_96 = arith.andi %parallel_loop3A_90, %broadcast_in_dim3A_27 : vector<16xi32>
        %parallel_loop3A_97 = vector.bitcast %parallel_loop3A_96 : vector<16xi32> to vector<16xf32>
        %parallel_loop3A_98 = arith.andi %parallel_loop3A_91, %broadcast_in_dim3A_27 : vector<16xi32>
        %parallel_loop3A_99 = vector.bitcast %parallel_loop3A_98 : vector<16xi32> to vector<16xf32>
        %parallel_loop3A_100 = arith.mulf %parallel_loop3A_93, %parallel_loop3A_95 : vector<16xf32>
        tpu.vector_store_idx %arg8[%broadcast_in_dim3A_9, %parallel_loop3A_85], %parallel_loop3A_100 {add = true} : memref<4x10240xf32, #tpu.memory_space<vmem>>[vector<16xi32>, vector<16xi32>], vector<16xf32>,
        %parallel_loop3A_101 = arith.mulf %parallel_loop3A_97, %parallel_loop3A_99 : vector<16xf32>
        tpu.vector_store_idx %arg8[%broadcast_in_dim3A_13, %parallel_loop3A_85], %parallel_loop3A_101 {add = true} : memref<4x10240xf32, #tpu.memory_space<vmem>>[vector<16xi32>, vector<16xi32>], vector<16xf32>,
        %parallel_loop3A_102 = tpu.vector_load_idx %arg9[%broadcast_in_dim3A_19, %parallel_loop3A_89] : memref<2x2048xi32, #tpu.memory_space<vmem>>[vector<16xi32>, vector<16xi32>], vector<16xi32>,
        %parallel_loop3A_103 = tpu.vector_load_idx %arg7[%broadcast_in_dim3A_19, %parallel_loop3A_88] : memref<2x10240xi32, #tpu.memory_space<vmem>>[vector<16xi32>, vector<16xi32>], vector<16xi32>,
        %parallel_loop3A_104 = arith.shli %parallel_loop3A_102, %broadcast_in_dim3A_25 : vector<16xi32>
        %parallel_loop3A_105 = vector.bitcast %parallel_loop3A_104 : vector<16xi32> to vector<16xf32>
        %parallel_loop3A_106 = arith.shli %parallel_loop3A_103, %broadcast_in_dim3A_25 : vector<16xi32>
        %parallel_loop3A_107 = vector.bitcast %parallel_loop3A_106 : vector<16xi32> to vector<16xf32>
        %parallel_loop3A_108 = arith.andi %parallel_loop3A_102, %broadcast_in_dim3A_27 : vector<16xi32>
        %parallel_loop3A_109 = vector.bitcast %parallel_loop3A_108 : vector<16xi32> to vector<16xf32>
        %parallel_loop3A_110 = arith.andi %parallel_loop3A_103, %broadcast_in_dim3A_27 : vector<16xi32>
        %parallel_loop3A_111 = vector.bitcast %parallel_loop3A_110 : vector<16xi32> to vector<16xf32>
        %parallel_loop3A_112 = arith.mulf %parallel_loop3A_105, %parallel_loop3A_107 : vector<16xf32>
        tpu.vector_store_idx %arg8[%broadcast_in_dim3A_11, %parallel_loop3A_85], %parallel_loop3A_112 {add = true} : memref<4x10240xf32, #tpu.memory_space<vmem>>[vector<16xi32>, vector<16xi32>], vector<16xf32>,
        %parallel_loop3A_113 = arith.mulf %parallel_loop3A_109, %parallel_loop3A_111 : vector<16xf32>
        tpu.vector_store_idx %arg8[%broadcast_in_dim3A_15, %parallel_loop3A_85], %parallel_loop3A_113 {add = true} : memref<4x10240xf32, #tpu.memory_space<vmem>>[vector<16xi32>, vector<16xi32>], vector<16xf32>,
      } {sc.loop_unroll_factor = 1 : i64, sc.parallel_access}
      %mul3A_61 = arith.constant 2 : i32
      %mul3A_62 = arith.muli %scan3A_42, %mul3A_61 : i32
      %add3A_63 = arith.constant 1 : i32
      %add3A_64 = arith.addi %mul3A_62, %add3A_63 : i32
      %dma_wait3A_65 = arith.constant 0 : i32
      %dma_wait3A_66 = tpu.memref_slice %arg2[%dma_wait3A_65] : memref<640000xi32, #tpu.memory_space<hbm>> -> memref<4000xi32, #tpu.memory_space<hbm>>
      %dma_wait3A_67 = arith.constant 0 : i32
      %dma_wait3A_68 = tpu.memref_slice %arg2[%dma_wait3A_67] : memref<640000xi32, #tpu.memory_space<hbm>> -> memref<4000xi32, #tpu.memory_space<hbm>>
      tpu.wait_dma2 semaphore(%arg15 : memref<!tpu.dma_semaphore, #tpu.memory_space<semaphore_mem>>) src(%dma_wait3A_68 : memref<4000xi32, #tpu.memory_space<hbm>>) dst(%arg11 : memref<4000xi32, #tpu.memory_space<vmem>>)
      %dma_wait3A_69 = arith.constant 0 : i32
      %dma_wait3A_70 = tpu.memref_slice %arg3[%dma_wait3A_69] : memref<320000xi32, #tpu.memory_space<hbm>> -> memref<4000xi32, #tpu.memory_space<hbm>>
      %dma_wait3A_71 = arith.constant 0 : i32
      %dma_wait3A_72 = tpu.memref_slice %arg3[%dma_wait3A_71] : memref<320000xi32, #tpu.memory_space<hbm>> -> memref<4000xi32, #tpu.memory_space<hbm>>
      tpu.wait_dma2 semaphore(%arg15 : memref<!tpu.dma_semaphore, #tpu.memory_space<semaphore_mem>>) src(%dma_wait3A_72 : memref<4000xi32, #tpu.memory_space<hbm>>) dst(%arg13 : memref<4000xi32, #tpu.memory_space<vmem>>)
      %add3A_73 = arith.constant 1 : i32
      %add3A_74 = arith.addi %add3A_64, %add3A_73 : i32
      %lt3A_75 = arith.constant 80 : i32
      %lt3A_76 = arith.cmpi slt, %add3A_74, %lt3A_75 : i32
      %convert_element_type3A_77 = arith.extui %lt3A_76 : i1 to i32
      %cond3A_78 = arith.constant 0 : i32
      %cond3A_79 = arith.cmpi ne, %convert_element_type3A_77, %cond3A_78 : i32
      scf.if %cond3A_79 {
        %add3A_83 = arith.constant 1 : i32
        %add3A_84 = arith.addi %add3A_64, %add3A_83 : i32
        %mul3A_85 = arith.constant 4000 : i32
        %mul3A_86 = arith.muli %add3A_84, %mul3A_85 : i32
        %dma_start3A_87 = tpu.memref_slice %arg2[%mul3A_86] : memref<640000xi32, #tpu.memory_space<hbm>> -> memref<4000xi32, #tpu.memory_space<hbm>>
        %dma_start3A_88 = tpu.memref_slice %arg2[%mul3A_86] : memref<640000xi32, #tpu.memory_space<hbm>> -> memref<4000xi32, #tpu.memory_space<hbm>>
        tpu.enqueue_dma source(%dma_start3A_88 : memref<4000xi32, #tpu.memory_space<hbm>>) target(%arg10 : memref<4000xi32, #tpu.memory_space<vmem>>) target_semaphore(%arg14 : memref<!tpu.dma_semaphore, #tpu.memory_space<semaphore_mem>>)
        %dma_start3A_89 = tpu.memref_slice %arg3[%mul3A_86] : memref<320000xi32, #tpu.memory_space<hbm>> -> memref<4000xi32, #tpu.memory_space<hbm>>
        %dma_start3A_90 = tpu.memref_slice %arg3[%mul3A_86] : memref<320000xi32, #tpu.memory_space<hbm>> -> memref<4000xi32, #tpu.memory_space<hbm>>
        tpu.enqueue_dma source(%dma_start3A_90 : memref<4000xi32, #tpu.memory_space<hbm>>) target(%arg12 : memref<4000xi32, #tpu.memory_space<vmem>>) target_semaphore(%arg14 : memref<!tpu.dma_semaphore, #tpu.memory_space<semaphore_mem>>)
      } else {
      }
      %parallel_loop3A_80 = arith.constant 0 : i32
      %parallel_loop3A_81 = arith.constant 4000 : i32
      %parallel_loop3A_82 = arith.constant 16 : i32
      scf.for %parallel_loop3A_83 = %parallel_loop3A_80 to %parallel_loop3A_81 step %parallel_loop3A_82  : i32 {
        %parallel_loop3A_84 = arith.index_cast %parallel_loop3A_83 : i32 to index
        %parallel_loop3A_85 = tpu.vector_load %arg11[%parallel_loop3A_84] {strides = array<i32>} : memref<4000xi32, #tpu.memory_space<vmem>>, vector<16xi32>,
        %parallel_loop3A_86 = arith.index_cast %parallel_loop3A_83 : i32 to index
        %parallel_loop3A_87 = tpu.vector_load %arg13[%parallel_loop3A_86] {strides = array<i32>} : memref<4000xi32, #tpu.memory_space<vmem>>, vector<16xi32>,
        %parallel_loop3A_88 = arith.andi %parallel_loop3A_87, %broadcast_in_dim3A_21 : vector<16xi32>
        %parallel_loop3A_89 = arith.shrui %parallel_loop3A_87, %broadcast_in_dim3A_23 : vector<16xi32>
        %parallel_loop3A_90 = tpu.vector_load_idx %arg9[%broadcast_in_dim3A_17, %parallel_loop3A_89] : memref<2x2048xi32, #tpu.memory_space<vmem>>[vector<16xi32>, vector<16xi32>], vector<16xi32>,
        %parallel_loop3A_91 = tpu.vector_load_idx %arg7[%broadcast_in_dim3A_17, %parallel_loop3A_88] : memref<2x10240xi32, #tpu.memory_space<vmem>>[vector<16xi32>, vector<16xi32>], vector<16xi32>,
        %parallel_loop3A_92 = arith.shli %parallel_loop3A_90, %broadcast_in_dim3A_25 : vector<16xi32>
        %parallel_loop3A_93 = vector.bitcast %parallel_loop3A_92 : vector<16xi32> to vector<16xf32>
        %parallel_loop3A_94 = arith.shli %parallel_loop3A_91, %broadcast_in_dim3A_25 : vector<16xi32>
        %parallel_loop3A_95 = vector.bitcast %parallel_loop3A_94 : vector<16xi32> to vector<16xf32>
        %parallel_loop3A_96 = arith.andi %parallel_loop3A_90, %broadcast_in_dim3A_27 : vector<16xi32>
        %parallel_loop3A_97 = vector.bitcast %parallel_loop3A_96 : vector<16xi32> to vector<16xf32>
        %parallel_loop3A_98 = arith.andi %parallel_loop3A_91, %broadcast_in_dim3A_27 : vector<16xi32>
        %parallel_loop3A_99 = vector.bitcast %parallel_loop3A_98 : vector<16xi32> to vector<16xf32>
        %parallel_loop3A_100 = arith.mulf %parallel_loop3A_93, %parallel_loop3A_95 : vector<16xf32>
        tpu.vector_store_idx %arg8[%broadcast_in_dim3A_9, %parallel_loop3A_85], %parallel_loop3A_100 {add = true} : memref<4x10240xf32, #tpu.memory_space<vmem>>[vector<16xi32>, vector<16xi32>], vector<16xf32>,
        %parallel_loop3A_101 = arith.mulf %parallel_loop3A_97, %parallel_loop3A_99 : vector<16xf32>
        tpu.vector_store_idx %arg8[%broadcast_in_dim3A_13, %parallel_loop3A_85], %parallel_loop3A_101 {add = true} : memref<4x10240xf32, #tpu.memory_space<vmem>>[vector<16xi32>, vector<16xi32>], vector<16xf32>,
        %parallel_loop3A_102 = tpu.vector_load_idx %arg9[%broadcast_in_dim3A_19, %parallel_loop3A_89] : memref<2x2048xi32, #tpu.memory_space<vmem>>[vector<16xi32>, vector<16xi32>], vector<16xi32>,
        %parallel_loop3A_103 = tpu.vector_load_idx %arg7[%broadcast_in_dim3A_19, %parallel_loop3A_88] : memref<2x10240xi32, #tpu.memory_space<vmem>>[vector<16xi32>, vector<16xi32>], vector<16xi32>,
        %parallel_loop3A_104 = arith.shli %parallel_loop3A_102, %broadcast_in_dim3A_25 : vector<16xi32>
        %parallel_loop3A_105 = vector.bitcast %parallel_loop3A_104 : vector<16xi32> to vector<16xf32>
        %parallel_loop3A_106 = arith.shli %parallel_loop3A_103, %broadcast_in_dim3A_25 : vector<16xi32>
        %parallel_loop3A_107 = vector.bitcast %parallel_loop3A_106 : vector<16xi32> to vector<16xf32>
        %parallel_loop3A_108 = arith.andi %parallel_loop3A_102, %broadcast_in_dim3A_27 : vector<16xi32>
        %parallel_loop3A_109 = vector.bitcast %parallel_loop3A_108 : vector<16xi32> to vector<16xf32>
        %parallel_loop3A_110 = arith.andi %parallel_loop3A_103, %broadcast_in_dim3A_27 : vector<16xi32>
        %parallel_loop3A_111 = vector.bitcast %parallel_loop3A_110 : vector<16xi32> to vector<16xf32>
        %parallel_loop3A_112 = arith.mulf %parallel_loop3A_105, %parallel_loop3A_107 : vector<16xf32>
        tpu.vector_store_idx %arg8[%broadcast_in_dim3A_11, %parallel_loop3A_85], %parallel_loop3A_112 {add = true} : memref<4x10240xf32, #tpu.memory_space<vmem>>[vector<16xi32>, vector<16xi32>], vector<16xf32>,
        %parallel_loop3A_113 = arith.mulf %parallel_loop3A_109, %parallel_loop3A_111 : vector<16xf32>
        tpu.vector_store_idx %arg8[%broadcast_in_dim3A_15, %parallel_loop3A_85], %parallel_loop3A_113 {add = true} : memref<4x10240xf32, #tpu.memory_space<vmem>>[vector<16xi32>, vector<16xi32>], vector<16xf32>,
      } {sc.loop_unroll_factor = 1 : i64, sc.parallel_access}
    }
    %scan3A_39 = arith.constant 40 : i32
    "tpu.region"() ({
      %run_scoped3A = tpu.sem_alloc : memref<!tpu.dma_semaphore, #tpu.memory_space<semaphore_mem>>
      %dma_start3A_42 = arith.constant 0 : i32
      %dma_start3A_43 = arith.constant 0 : i32
      %dma_start3A_44 = tpu.memref_slice %arg8[%dma_start3A_42, %dma_start3A_43] : memref<4x10240xf32, #tpu.memory_space<vmem>> -> memref<2x10240xf32, #tpu.memory_space<vmem>>
      %dma_start3A_45 = arith.constant 0 : i32
      %dma_start3A_46 = tpu.memref_slice %arg6[%mul3A_4, %dma_start3A_45] : memref<128x10240xf32, #tpu.memory_space<hbm>> -> memref<2x10240xf32, #tpu.memory_space<hbm>>
      %dma_start3A_47 = arith.constant 0 : i32
      %dma_start3A_48 = tpu.memref_slice %arg6[%mul3A_4, %dma_start3A_47] : memref<128x10240xf32, #tpu.memory_space<hbm>> -> memref<2x10240xf32, #tpu.memory_space<hbm>>
      %dma_start3A_49 = arith.constant 0 : i32
      %dma_start3A_50 = arith.constant 0 : i32
      %dma_start3A_51 = tpu.memref_slice %arg8[%dma_start3A_49, %dma_start3A_50] : memref<4x10240xf32, #tpu.memory_space<vmem>> -> memref<2x10240xf32, #tpu.memory_space<vmem>>
      tpu.enqueue_dma source(%dma_start3A_51 : memref<2x10240xf32, #tpu.memory_space<vmem>>) target(%dma_start3A_48 : memref<2x10240xf32, #tpu.memory_space<hbm>>) target_semaphore(%run_scoped3A : memref<!tpu.dma_semaphore, #tpu.memory_space<semaphore_mem>>)
      %dma_wait3A = arith.constant 0 : i32
      %dma_wait3A_52 = arith.constant 0 : i32
      %dma_wait3A_53 = tpu.memref_slice %arg8[%dma_wait3A, %dma_wait3A_52] : memref<4x10240xf32, #tpu.memory_space<vmem>> -> memref<2x10240xf32, #tpu.memory_space<vmem>>
      %dma_wait3A_54 = arith.constant 0 : i32
      %dma_wait3A_55 = tpu.memref_slice %arg6[%mul3A_4, %dma_wait3A_54] : memref<128x10240xf32, #tpu.memory_space<hbm>> -> memref<2x10240xf32, #tpu.memory_space<hbm>>
      %dma_wait3A_56 = arith.constant 0 : i32
      %dma_wait3A_57 = tpu.memref_slice %arg6[%mul3A_4, %dma_wait3A_56] : memref<128x10240xf32, #tpu.memory_space<hbm>> -> memref<2x10240xf32, #tpu.memory_space<hbm>>
      %dma_wait3A_58 = arith.constant 0 : i32
      %dma_wait3A_59 = arith.constant 0 : i32
      %dma_wait3A_60 = tpu.memref_slice %arg8[%dma_wait3A_58, %dma_wait3A_59] : memref<4x10240xf32, #tpu.memory_space<vmem>> -> memref<2x10240xf32, #tpu.memory_space<vmem>>
      tpu.wait_dma2 semaphore(%run_scoped3A : memref<!tpu.dma_semaphore, #tpu.memory_space<semaphore_mem>>) src(%dma_wait3A_60 : memref<2x10240xf32, #tpu.memory_space<vmem>>) dst(%dma_wait3A_57 : memref<2x10240xf32, #tpu.memory_space<hbm>>)
      tpu.yield
    }) : () -> ()
    %add3A_40 = arith.constant 64 : i32
    %add3A_41 = arith.addi %add3A_40, %mul3A_4 : i32
    "tpu.region"() ({
      %run_scoped3A = tpu.sem_alloc : memref<!tpu.dma_semaphore, #tpu.memory_space<semaphore_mem>>
      %dma_start3A_42 = arith.constant 2 : i32
      %dma_start3A_43 = arith.constant 0 : i32
      %dma_start3A_44 = tpu.memref_slice %arg8[%dma_start3A_42, %dma_start3A_43] : memref<4x10240xf32, #tpu.memory_space<vmem>> -> memref<2x10240xf32, #tpu.memory_space<vmem>>
      %dma_start3A_45 = arith.constant 0 : i32
      %dma_start3A_46 = tpu.memref_slice %arg6[%add3A_41, %dma_start3A_45] : memref<128x10240xf32, #tpu.memory_space<hbm>> -> memref<2x10240xf32, #tpu.memory_space<hbm>>
      %dma_start3A_47 = arith.constant 0 : i32
      %dma_start3A_48 = tpu.memref_slice %arg6[%add3A_41, %dma_start3A_47] : memref<128x10240xf32, #tpu.memory_space<hbm>> -> memref<2x10240xf32, #tpu.memory_space<hbm>>
      %dma_start3A_49 = arith.constant 2 : i32
      %dma_start3A_50 = arith.constant 0 : i32
      %dma_start3A_51 = tpu.memref_slice %arg8[%dma_start3A_49, %dma_start3A_50] : memref<4x10240xf32, #tpu.memory_space<vmem>> -> memref<2x10240xf32, #tpu.memory_space<vmem>>
      tpu.enqueue_dma source(%dma_start3A_51 : memref<2x10240xf32, #tpu.memory_space<vmem>>) target(%dma_start3A_48 : memref<2x10240xf32, #tpu.memory_space<hbm>>) target_semaphore(%run_scoped3A : memref<!tpu.dma_semaphore, #tpu.memory_space<semaphore_mem>>)
      %dma_wait3A = arith.constant 2 : i32
      %dma_wait3A_52 = arith.constant 0 : i32
      %dma_wait3A_53 = tpu.memref_slice %arg8[%dma_wait3A, %dma_wait3A_52] : memref<4x10240xf32, #tpu.memory_space<vmem>> -> memref<2x10240xf32, #tpu.memory_space<vmem>>
      %dma_wait3A_54 = arith.constant 0 : i32
      %dma_wait3A_55 = tpu.memref_slice %arg6[%add3A_41, %dma_wait3A_54] : memref<128x10240xf32, #tpu.memory_space<hbm>> -> memref<2x10240xf32, #tpu.memory_space<hbm>>
      %dma_wait3A_56 = arith.constant 0 : i32
      %dma_wait3A_57 = tpu.memref_slice %arg6[%add3A_41, %dma_wait3A_56] : memref<128x10240xf32, #tpu.memory_space<hbm>> -> memref<2x10240xf32, #tpu.memory_space<hbm>>
      %dma_wait3A_58 = arith.constant 2 : i32
      %dma_wait3A_59 = arith.constant 0 : i32
      %dma_wait3A_60 = tpu.memref_slice %arg8[%dma_wait3A_58, %dma_wait3A_59] : memref<4x10240xf32, #tpu.memory_space<vmem>> -> memref<2x10240xf32, #tpu.memory_space<vmem>>
      tpu.wait_dma2 semaphore(%run_scoped3A : memref<!tpu.dma_semaphore, #tpu.memory_space<semaphore_mem>>) src(%dma_wait3A_60 : memref<2x10240xf32, #tpu.memory_space<vmem>>) dst(%dma_wait3A_57 : memref<2x10240xf32, #tpu.memory_space<hbm>>)
      tpu.yield
    }) : () -> ()
    return
  }
}

#map = affine_map<(d0, d1) -> (0)>
#map1 = affine_map<(d0, d1) -> (0, 0)>
module attributes {stable_mosaic.version = 14 : i64} {
  func.func @_geom_body(%arg0: i32, %arg1: i32, %arg2: memref<640000xi32, #tpu.memory_space<hbm>>, %arg3: memref<30000xf32, #tpu.memory_space<hbm>>, %arg4: memref<320000xf32, #tpu.memory_space<hbm>>, %arg5: memref<32x10240xf32, #tpu.memory_space<hbm>>, %arg6: memref<10000xf32, #tpu.memory_space<vmem>>, %arg7: memref<10000xf32, #tpu.memory_space<vmem>>, %arg8: memref<10000xf32, #tpu.memory_space<vmem>>, %arg9: memref<10000xi32, #tpu.memory_space<vmem>>, %arg10: memref<10000xi32, #tpu.memory_space<vmem>>, %arg11: memref<10000xf32, #tpu.memory_space<vmem>>, %arg12: memref<10240xf32, #tpu.memory_space<vmem>>) attributes {dimension_semantics = [#tpu.dimension_semantics<core_parallel>, #tpu.dimension_semantics<subcore_parallel>], iteration_bounds = array<i64: 2, 16>, scalar_prefetch = 0 : i64, scratch_operands = 7 : i64, tpu.core_type = #tpu.core_type<sc_vector_subcore>, window_params = [{transform_indices = #map}, {transform_indices = #map}, {transform_indices = #map}, {transform_indices = #map1}]} {
    %mul3A = arith.constant 2 : i32
    %mul3A_0 = arith.muli %arg1, %mul3A : i32
    %add3A = arith.addi %mul3A_0, %arg0 : i32
    %mul3A_1 = arith.constant 10000 : i32
    %mul3A_2 = arith.muli %add3A, %mul3A_1 : i32
    "tpu.region"() ({
      %run_scoped3A = tpu.sem_alloc : memref<!tpu.dma_semaphore, #tpu.memory_space<semaphore_mem>>
      %dma_start3A = arith.constant 0 : i32
      %dma_start3A_13 = tpu.memref_slice %arg3[%dma_start3A] : memref<30000xf32, #tpu.memory_space<hbm>> -> memref<10000xf32, #tpu.memory_space<hbm>>
      %dma_start3A_14 = arith.constant 0 : i32
      %dma_start3A_15 = tpu.memref_slice %arg3[%dma_start3A_14] : memref<30000xf32, #tpu.memory_space<hbm>> -> memref<10000xf32, #tpu.memory_space<hbm>>
      tpu.enqueue_dma source(%dma_start3A_15 : memref<10000xf32, #tpu.memory_space<hbm>>) target(%arg6 : memref<10000xf32, #tpu.memory_space<vmem>>) target_semaphore(%run_scoped3A : memref<!tpu.dma_semaphore, #tpu.memory_space<semaphore_mem>>)
      %dma_wait3A = arith.constant 0 : i32
      %dma_wait3A_16 = tpu.memref_slice %arg3[%dma_wait3A] : memref<30000xf32, #tpu.memory_space<hbm>> -> memref<10000xf32, #tpu.memory_space<hbm>>
      %dma_wait3A_17 = arith.constant 0 : i32
      %dma_wait3A_18 = tpu.memref_slice %arg3[%dma_wait3A_17] : memref<30000xf32, #tpu.memory_space<hbm>> -> memref<10000xf32, #tpu.memory_space<hbm>>
      tpu.wait_dma2 semaphore(%run_scoped3A : memref<!tpu.dma_semaphore, #tpu.memory_space<semaphore_mem>>) src(%dma_wait3A_18 : memref<10000xf32, #tpu.memory_space<hbm>>) dst(%arg6 : memref<10000xf32, #tpu.memory_space<vmem>>)
      tpu.yield
    }) : () -> ()
    "tpu.region"() ({
      %run_scoped3A = tpu.sem_alloc : memref<!tpu.dma_semaphore, #tpu.memory_space<semaphore_mem>>
      %dma_start3A = arith.constant 10000 : i32
      %dma_start3A_13 = tpu.memref_slice %arg3[%dma_start3A] : memref<30000xf32, #tpu.memory_space<hbm>> -> memref<10000xf32, #tpu.memory_space<hbm>>
      %dma_start3A_14 = arith.constant 10000 : i32
      %dma_start3A_15 = tpu.memref_slice %arg3[%dma_start3A_14] : memref<30000xf32, #tpu.memory_space<hbm>> -> memref<10000xf32, #tpu.memory_space<hbm>>
      tpu.enqueue_dma source(%dma_start3A_15 : memref<10000xf32, #tpu.memory_space<hbm>>) target(%arg7 : memref<10000xf32, #tpu.memory_space<vmem>>) target_semaphore(%run_scoped3A : memref<!tpu.dma_semaphore, #tpu.memory_space<semaphore_mem>>)
      %dma_wait3A = arith.constant 10000 : i32
      %dma_wait3A_16 = tpu.memref_slice %arg3[%dma_wait3A] : memref<30000xf32, #tpu.memory_space<hbm>> -> memref<10000xf32, #tpu.memory_space<hbm>>
      %dma_wait3A_17 = arith.constant 10000 : i32
      %dma_wait3A_18 = tpu.memref_slice %arg3[%dma_wait3A_17] : memref<30000xf32, #tpu.memory_space<hbm>> -> memref<10000xf32, #tpu.memory_space<hbm>>
      tpu.wait_dma2 semaphore(%run_scoped3A : memref<!tpu.dma_semaphore, #tpu.memory_space<semaphore_mem>>) src(%dma_wait3A_18 : memref<10000xf32, #tpu.memory_space<hbm>>) dst(%arg7 : memref<10000xf32, #tpu.memory_space<vmem>>)
      tpu.yield
    }) : () -> ()
    "tpu.region"() ({
      %run_scoped3A = tpu.sem_alloc : memref<!tpu.dma_semaphore, #tpu.memory_space<semaphore_mem>>
      %dma_start3A = arith.constant 20000 : i32
      %dma_start3A_13 = tpu.memref_slice %arg3[%dma_start3A] : memref<30000xf32, #tpu.memory_space<hbm>> -> memref<10000xf32, #tpu.memory_space<hbm>>
      %dma_start3A_14 = arith.constant 20000 : i32
      %dma_start3A_15 = tpu.memref_slice %arg3[%dma_start3A_14] : memref<30000xf32, #tpu.memory_space<hbm>> -> memref<10000xf32, #tpu.memory_space<hbm>>
      tpu.enqueue_dma source(%dma_start3A_15 : memref<10000xf32, #tpu.memory_space<hbm>>) target(%arg8 : memref<10000xf32, #tpu.memory_space<vmem>>) target_semaphore(%run_scoped3A : memref<!tpu.dma_semaphore, #tpu.memory_space<semaphore_mem>>)
      %dma_wait3A = arith.constant 20000 : i32
      %dma_wait3A_16 = tpu.memref_slice %arg3[%dma_wait3A] : memref<30000xf32, #tpu.memory_space<hbm>> -> memref<10000xf32, #tpu.memory_space<hbm>>
      %dma_wait3A_17 = arith.constant 20000 : i32
      %dma_wait3A_18 = tpu.memref_slice %arg3[%dma_wait3A_17] : memref<30000xf32, #tpu.memory_space<hbm>> -> memref<10000xf32, #tpu.memory_space<hbm>>
      tpu.wait_dma2 semaphore(%run_scoped3A : memref<!tpu.dma_semaphore, #tpu.memory_space<semaphore_mem>>) src(%dma_wait3A_18 : memref<10000xf32, #tpu.memory_space<hbm>>) dst(%arg8 : memref<10000xf32, #tpu.memory_space<vmem>>)
      tpu.yield
    }) : () -> ()
    "tpu.region"() ({
      %run_scoped3A = tpu.sem_alloc : memref<!tpu.dma_semaphore, #tpu.memory_space<semaphore_mem>>
      %dma_start3A = tpu.memref_slice %arg2[%mul3A_2] : memref<640000xi32, #tpu.memory_space<hbm>> -> memref<10000xi32, #tpu.memory_space<hbm>>
      %dma_start3A_13 = tpu.memref_slice %arg2[%mul3A_2] : memref<640000xi32, #tpu.memory_space<hbm>> -> memref<10000xi32, #tpu.memory_space<hbm>>
      tpu.enqueue_dma source(%dma_start3A_13 : memref<10000xi32, #tpu.memory_space<hbm>>) target(%arg9 : memref<10000xi32, #tpu.memory_space<vmem>>) target_semaphore(%run_scoped3A : memref<!tpu.dma_semaphore, #tpu.memory_space<semaphore_mem>>)
      %dma_wait3A = tpu.memref_slice %arg2[%mul3A_2] : memref<640000xi32, #tpu.memory_space<hbm>> -> memref<10000xi32, #tpu.memory_space<hbm>>
      %dma_wait3A_14 = tpu.memref_slice %arg2[%mul3A_2] : memref<640000xi32, #tpu.memory_space<hbm>> -> memref<10000xi32, #tpu.memory_space<hbm>>
      tpu.wait_dma2 semaphore(%run_scoped3A : memref<!tpu.dma_semaphore, #tpu.memory_space<semaphore_mem>>) src(%dma_wait3A_14 : memref<10000xi32, #tpu.memory_space<hbm>>) dst(%arg9 : memref<10000xi32, #tpu.memory_space<vmem>>)
      tpu.yield
    }) : () -> ()
    %add3A_3 = arith.constant 320000 : i32
    %add3A_4 = arith.addi %add3A_3, %mul3A_2 : i32
    "tpu.region"() ({
      %run_scoped3A = tpu.sem_alloc : memref<!tpu.dma_semaphore, #tpu.memory_space<semaphore_mem>>
      %dma_start3A = tpu.memref_slice %arg2[%add3A_4] : memref<640000xi32, #tpu.memory_space<hbm>> -> memref<10000xi32, #tpu.memory_space<hbm>>
      %dma_start3A_13 = tpu.memref_slice %arg2[%add3A_4] : memref<640000xi32, #tpu.memory_space<hbm>> -> memref<10000xi32, #tpu.memory_space<hbm>>
      tpu.enqueue_dma source(%dma_start3A_13 : memref<10000xi32, #tpu.memory_space<hbm>>) target(%arg10 : memref<10000xi32, #tpu.memory_space<vmem>>) target_semaphore(%run_scoped3A : memref<!tpu.dma_semaphore, #tpu.memory_space<semaphore_mem>>)
      %dma_wait3A = tpu.memref_slice %arg2[%add3A_4] : memref<640000xi32, #tpu.memory_space<hbm>> -> memref<10000xi32, #tpu.memory_space<hbm>>
      %dma_wait3A_14 = tpu.memref_slice %arg2[%add3A_4] : memref<640000xi32, #tpu.memory_space<hbm>> -> memref<10000xi32, #tpu.memory_space<hbm>>
      tpu.wait_dma2 semaphore(%run_scoped3A : memref<!tpu.dma_semaphore, #tpu.memory_space<semaphore_mem>>) src(%dma_wait3A_14 : memref<10000xi32, #tpu.memory_space<hbm>>) dst(%arg10 : memref<10000xi32, #tpu.memory_space<vmem>>)
      tpu.yield
    }) : () -> ()
    %broadcast_in_dim3A = arith.constant 0.000000e+00 : f32
    %broadcast_in_dim3A_5 = vector.broadcast %broadcast_in_dim3A : f32 to vector<16xf32>
    %parallel_loop3A = arith.constant 0 : i32
    %parallel_loop3A_6 = arith.constant 10240 : i32
    %parallel_loop3A_7 = arith.constant 16 : i32
    scf.for %parallel_loop3A_13 = %parallel_loop3A to %parallel_loop3A_6 step %parallel_loop3A_7  : i32 {
      %parallel_loop3A_14 = arith.index_cast %parallel_loop3A_13 : i32 to index
      %parallel_loop3A_15 = tpu.vector_load %arg12[%parallel_loop3A_14] {strides = array<i32>} : memref<10240xf32, #tpu.memory_space<vmem>>, vector<16xf32>,
      tpu.vector_store %arg12[%parallel_loop3A_14], %broadcast_in_dim3A_5 {strides = array<i32>} : memref<10240xf32, #tpu.memory_space<vmem>>, vector<16xf32>,
    } {sc.loop_unroll_factor = 2 : i64, sc.parallel_access}
    %broadcast_in_dim3A_8 = arith.constant 1.000000e+00 : f32
    %broadcast_in_dim3A_9 = vector.broadcast %broadcast_in_dim3A_8 : f32 to vector<16xf32>
    %parallel_loop3A_10 = arith.constant 0 : i32
    %parallel_loop3A_11 = arith.constant 10000 : i32
    %parallel_loop3A_12 = arith.constant 16 : i32
    scf.for %parallel_loop3A_13 = %parallel_loop3A_10 to %parallel_loop3A_11 step %parallel_loop3A_12  : i32 {
      %parallel_loop3A_14 = arith.index_cast %parallel_loop3A_13 : i32 to index
      %parallel_loop3A_15 = tpu.vector_load %arg9[%parallel_loop3A_14] {strides = array<i32>} : memref<10000xi32, #tpu.memory_space<vmem>>, vector<16xi32>,
      %parallel_loop3A_16 = arith.index_cast %parallel_loop3A_13 : i32 to index
      %parallel_loop3A_17 = tpu.vector_load %arg10[%parallel_loop3A_16] {strides = array<i32>} : memref<10000xi32, #tpu.memory_space<vmem>>, vector<16xi32>,
      %parallel_loop3A_18 = tpu.vector_load_idx %arg6[%parallel_loop3A_15] : memref<10000xf32, #tpu.memory_space<vmem>>[vector<16xi32>], vector<16xf32>,
      %parallel_loop3A_19 = tpu.vector_load_idx %arg6[%parallel_loop3A_17] : memref<10000xf32, #tpu.memory_space<vmem>>[vector<16xi32>], vector<16xf32>,
      %parallel_loop3A_20 = arith.subf %parallel_loop3A_18, %parallel_loop3A_19 : vector<16xf32>
      %parallel_loop3A_21 = tpu.vector_load_idx %arg7[%parallel_loop3A_15] : memref<10000xf32, #tpu.memory_space<vmem>>[vector<16xi32>], vector<16xf32>,
      %parallel_loop3A_22 = tpu.vector_load_idx %arg7[%parallel_loop3A_17] : memref<10000xf32, #tpu.memory_space<vmem>>[vector<16xi32>], vector<16xf32>,
      %parallel_loop3A_23 = arith.subf %parallel_loop3A_21, %parallel_loop3A_22 : vector<16xf32>
      %parallel_loop3A_24 = tpu.vector_load_idx %arg8[%parallel_loop3A_15] : memref<10000xf32, #tpu.memory_space<vmem>>[vector<16xi32>], vector<16xf32>,
      %parallel_loop3A_25 = tpu.vector_load_idx %arg8[%parallel_loop3A_17] : memref<10000xf32, #tpu.memory_space<vmem>>[vector<16xi32>], vector<16xf32>,
      %parallel_loop3A_26 = arith.subf %parallel_loop3A_24, %parallel_loop3A_25 : vector<16xf32>
      %parallel_loop3A_27 = arith.mulf %parallel_loop3A_20, %parallel_loop3A_20 : vector<16xf32>
      %parallel_loop3A_28 = arith.mulf %parallel_loop3A_23, %parallel_loop3A_23 : vector<16xf32>
      %parallel_loop3A_29 = arith.addf %parallel_loop3A_27, %parallel_loop3A_28 : vector<16xf32>
      %parallel_loop3A_30 = arith.mulf %parallel_loop3A_26, %parallel_loop3A_26 : vector<16xf32>
      %parallel_loop3A_31 = arith.addf %parallel_loop3A_29, %parallel_loop3A_30 : vector<16xf32>
      %parallel_loop3A_32 = arith.index_cast %parallel_loop3A_13 : i32 to index
      %parallel_loop3A_33 = tpu.vector_load %arg11[%parallel_loop3A_32] {strides = array<i32>} : memref<10000xf32, #tpu.memory_space<vmem>>, vector<16xf32>,
      tpu.vector_store %arg11[%parallel_loop3A_32], %parallel_loop3A_31 {strides = array<i32>} : memref<10000xf32, #tpu.memory_space<vmem>>, vector<16xf32>,
      tpu.vector_store_idx %arg12[%parallel_loop3A_15], %broadcast_in_dim3A_9 {add = true} : memref<10240xf32, #tpu.memory_space<vmem>>[vector<16xi32>], vector<16xf32>,
    } {sc.loop_unroll_factor = 1 : i64, sc.parallel_access}
    "tpu.region"() ({
      %run_scoped3A = tpu.sem_alloc : memref<!tpu.dma_semaphore, #tpu.memory_space<semaphore_mem>>
      %dma_start3A = tpu.memref_slice %arg4[%mul3A_2] : memref<320000xf32, #tpu.memory_space<hbm>> -> memref<10000xf32, #tpu.memory_space<hbm>>
      %dma_start3A_13 = tpu.memref_slice %arg4[%mul3A_2] : memref<320000xf32, #tpu.memory_space<hbm>> -> memref<10000xf32, #tpu.memory_space<hbm>>
      tpu.enqueue_dma source(%arg11 : memref<10000xf32, #tpu.memory_space<vmem>>) target(%dma_start3A_13 : memref<10000xf32, #tpu.memory_space<hbm>>) target_semaphore(%run_scoped3A : memref<!tpu.dma_semaphore, #tpu.memory_space<semaphore_mem>>)
      %dma_wait3A = tpu.memref_slice %arg4[%mul3A_2] : memref<320000xf32, #tpu.memory_space<hbm>> -> memref<10000xf32, #tpu.memory_space<hbm>>
      %dma_wait3A_14 = tpu.memref_slice %arg4[%mul3A_2] : memref<320000xf32, #tpu.memory_space<hbm>> -> memref<10000xf32, #tpu.memory_space<hbm>>
      tpu.wait_dma2 semaphore(%run_scoped3A : memref<!tpu.dma_semaphore, #tpu.memory_space<semaphore_mem>>) src(%arg11 : memref<10000xf32, #tpu.memory_space<vmem>>) dst(%dma_wait3A_14 : memref<10000xf32, #tpu.memory_space<hbm>>)
      tpu.yield
    }) : () -> ()
    "tpu.region"() ({
      %run_scoped3A = tpu.sem_alloc : memref<!tpu.dma_semaphore, #tpu.memory_space<semaphore_mem>>
      %dma_start3A = arith.constant 0 : i32
      %dma_start3A_13 = tpu.memref_slice %arg5[%add3A, %dma_start3A] : memref<32x10240xf32, #tpu.memory_space<hbm>> -> memref<1x10240xf32, #tpu.memory_space<hbm>>
      %dma_start3A_14 = tpu.memref_squeeze %dma_start3A_13 : memref<1x10240xf32, #tpu.memory_space<hbm>> -> memref<10240xf32, #tpu.memory_space<hbm>>
      %dma_start3A_15 = arith.constant 0 : i32
      %dma_start3A_16 = tpu.memref_slice %arg5[%add3A, %dma_start3A_15] : memref<32x10240xf32, #tpu.memory_space<hbm>> -> memref<1x10240xf32, #tpu.memory_space<hbm>>
      %dma_start3A_17 = tpu.memref_squeeze %dma_start3A_16 : memref<1x10240xf32, #tpu.memory_space<hbm>> -> memref<10240xf32, #tpu.memory_space<hbm>>
      tpu.enqueue_dma source(%arg12 : memref<10240xf32, #tpu.memory_space<vmem>>) target(%dma_start3A_17 : memref<10240xf32, #tpu.memory_space<hbm>>) target_semaphore(%run_scoped3A : memref<!tpu.dma_semaphore, #tpu.memory_space<semaphore_mem>>)
      %dma_wait3A = arith.constant 0 : i32
      %dma_wait3A_18 = tpu.memref_slice %arg5[%add3A, %dma_wait3A] : memref<32x10240xf32, #tpu.memory_space<hbm>> -> memref<1x10240xf32, #tpu.memory_space<hbm>>
      %dma_wait3A_19 = tpu.memref_squeeze %dma_wait3A_18 : memref<1x10240xf32, #tpu.memory_space<hbm>> -> memref<10240xf32, #tpu.memory_space<hbm>>
      %dma_wait3A_20 = arith.constant 0 : i32
      %dma_wait3A_21 = tpu.memref_slice %arg5[%add3A, %dma_wait3A_20] : memref<32x10240xf32, #tpu.memory_space<hbm>> -> memref<1x10240xf32, #tpu.memory_space<hbm>>
      %dma_wait3A_22 = tpu.memref_squeeze %dma_wait3A_21 : memref<1x10240xf32, #tpu.memory_space<hbm>> -> memref<10240xf32, #tpu.memory_space<hbm>>
      tpu.wait_dma2 semaphore(%run_scoped3A : memref<!tpu.dma_semaphore, #tpu.memory_space<semaphore_mem>>) src(%arg12 : memref<10240xf32, #tpu.memory_space<vmem>>) dst(%dma_wait3A_22 : memref<10240xf32, #tpu.memory_space<hbm>>)
      tpu.yield
    }) : () -> ()
    return
  }
}

module attributes {stable_mosaic.version = 14 : i64} {
  func.func @_transpose_body(%arg0: i32, %arg1: memref<1280x128xf32, #tpu.memory_space<vmem>>, %arg2: memref<64x1280xi32, #tpu.memory_space<vmem>>) attributes {dimension_semantics = [#tpu.dimension_semantics<arbitrary>], iteration_bounds = array<i64: 8>, scalar_prefetch = 0 : i64, scratch_operands = 0 : i64, tpu.core_type = #tpu.core_type<tc>, window_params = [{transform_indices = @transform_0, window_bounds = array<i64: 1280, 128>}, {transform_indices = @transform_1, window_bounds = array<i64: 64, 1280>}]} {
    %get3A = arith.constant 0 : index
    %get3A_0 = arith.constant 0 : index
    %get3A_1 = vector.load %arg1[%get3A, %get3A_0] : memref<1280x128xf32, #tpu.memory_space<vmem>>, vector<1280x128xf32>
    %transpose3A = tpu.transpose %get3A_1, [1, 0] : vector<1280x128xf32> -> vector<128x1280xf32>
    %bitcast_convert_type3A = tpu.bitcast %transpose3A : vector<128x1280xf32> -> vector<128x1280xi32>
    %add3A = arith.constant 32768 : i32
    %add3A_2 = vector.broadcast %add3A : i32 to vector<128x1280xi32>
    %add3A_3 = arith.addi %bitcast_convert_type3A, %add3A_2 : vector<128x1280xi32>
    %slice3A = vector.extract_strided_slice %add3A_3 {offsets = [0, 0], sizes = [64, 1280], strides = [1, 1]} : vector<128x1280xi32> to vector<64x1280xi32>
    %shift_right_logical3A = arith.constant 16 : i32
    %shift_right_logical3A_4 = vector.broadcast %shift_right_logical3A : i32 to vector<64x1280xi32>
    %shift_right_logical3A_5 = arith.shrui %slice3A, %shift_right_logical3A_4 : vector<64x1280xi32>
    %slice3A_6 = vector.extract_strided_slice %add3A_3 {offsets = [64, 0], sizes = [64, 1280], strides = [1, 1]} : vector<128x1280xi32> to vector<64x1280xi32>
    %and3A = arith.constant -65536 : i32
    %and3A_7 = vector.broadcast %and3A : i32 to vector<64x1280xi32>
    %and3A_8 = arith.andi %slice3A_6, %and3A_7 : vector<64x1280xi32>
    %or3A = arith.ori %shift_right_logical3A_5, %and3A_8 : vector<64x1280xi32>
    %swap3A = arith.constant 0 : index
    %swap3A_9 = arith.constant 0 : index
    %swap3A_10 = vector.load %arg2[%swap3A, %swap3A_9] : memref<64x1280xi32, #tpu.memory_space<vmem>>, vector<64x1280xi32>
    tpu.vector_store %arg2[%swap3A, %swap3A_9], %or3A {strides = array<i32>} : memref<64x1280xi32, #tpu.memory_space<vmem>>, vector<64x1280xi32>,
    return
  }
  func.func @transform_0(%arg0: i32) -> (i32, i32) {
    %c0_i32 = arith.constant 0 : i32
    %c0_i32_0 = arith.constant 0 : i32
    return %arg0, %c0_i32 : i32, i32
  }
  func.func @transform_1(%arg0: i32) -> (i32, i32) {
    %c0_i32 = arith.constant 0 : i32
    %c0_i32_0 = arith.constant 0 : i32
    return %c0_i32, %arg0 : i32, i32
  }
}

module attributes {stable_mosaic.version = 14 : i64} {
  func.func @_lut_body(%arg0: memref<32x128xf32, #tpu.memory_space<vmem>>, %arg1: memref<1x128xf32, #tpu.memory_space<vmem>>, %arg2: memref<128x128xf32, #tpu.memory_space<vmem>>, %arg3: memref<1x128xf32, #tpu.memory_space<vmem>>, %arg4: memref<64x2048xi32, #tpu.memory_space<vmem>>) attributes {dimension_semantics = [], scalar_prefetch = 0 : i64, scratch_operands = 0 : i64, tpu.core_type = #tpu.core_type<tc>} {
    %iota3A = tpu.iota {dimensions = array<i32: 0>} : vector<2048x1xi32>
    %convert_element_type3A = arith.sitofp %iota3A : vector<2048x1xi32> to vector<2048x1xf32>
    %mul3A = arith.constant 0.00312652672 : f32
    %mul3A_0 = vector.broadcast %mul3A : f32 to vector<2048x1xf32>
    %mul3A_1 = arith.mulf %convert_element_type3A, %mul3A_0 : vector<2048x1xf32>
    %iota3A_2 = tpu.iota {dimensions = array<i32: 1>} : vector<1x32xi32>
    %convert_element_type3A_3 = arith.sitofp %iota3A_2 : vector<1x32xi32> to vector<1x32xf32>
    %mul3A_4 = arith.constant 0.161290318 : f32
    %mul3A_5 = vector.broadcast %mul3A_4 : f32 to vector<1x32xf32>
    %mul3A_6 = arith.mulf %convert_element_type3A_3, %mul3A_5 : vector<1x32xf32>
    %sub3A = vector.broadcast %mul3A_1 : vector<2048x1xf32> to vector<2048x32xf32>
    %sub3A_7 = vector.broadcast %mul3A_6 : vector<1x32xf32> to vector<2048x32xf32>
    %sub3A_8 = arith.subf %sub3A, %sub3A_7 : vector<2048x32xf32>
    %mul3A_9 = arith.constant -1.000000e+01 : f32
    %mul3A_10 = vector.broadcast %mul3A_9 : f32 to vector<2048x32xf32>
    %mul3A_11 = arith.mulf %mul3A_10, %sub3A_8 : vector<2048x32xf32>
    %mul3A_12 = arith.mulf %mul3A_11, %sub3A_8 : vector<2048x32xf32>
    %exp3A = math.exp %mul3A_12 : vector<2048x32xf32>
    %get3A = arith.constant 0 : index
    %get3A_13 = arith.constant 0 : index
    %get3A_14 = vector.load %arg0[%get3A, %get3A_13] : memref<32x128xf32, #tpu.memory_space<vmem>>, vector<32x128xf32>
    %dot_general3A = arith.constant dense<0.000000e+00> : vector<2048x128xf32>
    %dot_general3A_15 = tpu.matmul %exp3A, %get3A_14, %dot_general3A {dimension_numbers = #tpu.dot_dimension_numbers<[1], [0], [0], [1], [0, 0, 1, 1], [], []>, transpose_lhs_hint = false} : vector<2048x32xf32>, vector<32x128xf32>, vector<2048x128xf32> -> vector<2048x128xf32>
    %get3A_16 = arith.constant 0 : index
    %get3A_17 = arith.constant 0 : index
    %get3A_18 = vector.load %arg1[%get3A_16, %get3A_17] : memref<1x128xf32, #tpu.memory_space<vmem>>, vector<1x128xf32>
    %add3A = vector.broadcast %get3A_18 : vector<1x128xf32> to vector<2048x128xf32>
    %add3A_19 = arith.addf %dot_general3A_15, %add3A : vector<2048x128xf32>
    %max3A = arith.constant 0.000000e+00 : f32
    %max3A_20 = vector.broadcast %max3A : f32 to vector<2048x128xf32>
    %max3A_21 = arith.maximumf %add3A_19, %max3A_20 : vector<2048x128xf32>
    %abs3A = math.absf %add3A_19 : vector<2048x128xf32>
    %neg3A = arith.constant 0.000000e+00 : f32
    %neg3A_22 = vector.broadcast %neg3A : f32 to vector<2048x128xf32>
    %neg3A_23 = arith.subf %neg3A_22, %abs3A : vector<2048x128xf32>
    %exp3A_24 = math.exp %neg3A_23 : vector<2048x128xf32>
    %add3A_25 = arith.constant 1.000000e+00 : f32
    %add3A_26 = vector.broadcast %add3A_25 : f32 to vector<2048x128xf32>
    %add3A_27 = arith.addf %add3A_26, %exp3A_24 : vector<2048x128xf32>
    %log3A = math.log %add3A_27 : vector<2048x128xf32>
    %add3A_28 = arith.addf %max3A_21, %log3A : vector<2048x128xf32>
    %sub3A_29 = arith.constant 5.000000e-01 : f32
    %sub3A_30 = vector.broadcast %sub3A_29 : f32 to vector<2048x128xf32>
    %sub3A_31 = arith.subf %add3A_28, %sub3A_30 : vector<2048x128xf32>
    %get3A_32 = arith.constant 0 : index
    %get3A_33 = arith.constant 0 : index
    %get3A_34 = vector.load %arg2[%get3A_32, %get3A_33] : memref<128x128xf32, #tpu.memory_space<vmem>>, vector<128x128xf32>
    %dot_general3A_35 = arith.constant dense<0.000000e+00> : vector<2048x128xf32>
    %dot_general3A_36 = tpu.matmul %sub3A_31, %get3A_34, %dot_general3A_35 {dimension_numbers = #tpu.dot_dimension_numbers<[1], [0], [0], [1], [0, 0, 1, 1], [], []>, transpose_lhs_hint = false} : vector<2048x128xf32>, vector<128x128xf32>, vector<2048x128xf32> -> vector<2048x128xf32>
    %get3A_37 = arith.constant 0 : index
    %get3A_38 = arith.constant 0 : index
    %get3A_39 = vector.load %arg3[%get3A_37, %get3A_38] : memref<1x128xf32, #tpu.memory_space<vmem>>, vector<1x128xf32>
    %add3A_40 = vector.broadcast %get3A_39 : vector<1x128xf32> to vector<2048x128xf32>
    %add3A_41 = arith.addf %dot_general3A_36, %add3A_40 : vector<2048x128xf32>
    %transpose3A = tpu.transpose %add3A_41, [1, 0] : vector<2048x128xf32> -> vector<128x2048xf32>
    %bitcast_convert_type3A = tpu.bitcast %transpose3A : vector<128x2048xf32> -> vector<128x2048xi32>
    %add3A_42 = arith.constant 32768 : i32
    %add3A_43 = vector.broadcast %add3A_42 : i32 to vector<128x2048xi32>
    %add3A_44 = arith.addi %bitcast_convert_type3A, %add3A_43 : vector<128x2048xi32>
    %slice3A = vector.extract_strided_slice %add3A_44 {offsets = [0, 0], sizes = [64, 2048], strides = [1, 1]} : vector<128x2048xi32> to vector<64x2048xi32>
    %shift_right_logical3A = arith.constant 16 : i32
    %shift_right_logical3A_45 = vector.broadcast %shift_right_logical3A : i32 to vector<64x2048xi32>
    %shift_right_logical3A_46 = arith.shrui %slice3A, %shift_right_logical3A_45 : vector<64x2048xi32>
    %slice3A_47 = vector.extract_strided_slice %add3A_44 {offsets = [64, 0], sizes = [64, 2048], strides = [1, 1]} : vector<128x2048xi32> to vector<64x2048xi32>
    %and3A = arith.constant -65536 : i32
    %and3A_48 = vector.broadcast %and3A : i32 to vector<64x2048xi32>
    %and3A_49 = arith.andi %slice3A_47, %and3A_48 : vector<64x2048xi32>
    %or3A = arith.ori %shift_right_logical3A_46, %and3A_49 : vector<64x2048xi32>
    %swap3A = arith.constant 0 : index
    %swap3A_50 = arith.constant 0 : index
    %swap3A_51 = vector.load %arg4[%swap3A, %swap3A_50] : memref<64x2048xi32, #tpu.memory_space<vmem>>, vector<64x2048xi32>
    tpu.vector_store %arg4[%swap3A, %swap3A_50], %or3A {strides = array<i32>} : memref<64x2048xi32, #tpu.memory_space<vmem>>, vector<64x2048xi32>,
    return
  }
}

module attributes {stable_mosaic.version = 14 : i64} {
  func.func @_quant_body(%arg0: memref<320000xf32, #tpu.memory_space<vmem>>, %arg1: memref<320000xi32, #tpu.memory_space<vmem>>, %arg2: memref<320000xi32, #tpu.memory_space<vmem>>) attributes {dimension_semantics = [], scalar_prefetch = 0 : i64, scratch_operands = 0 : i64, tpu.core_type = #tpu.core_type<tc>} {
    %get3A = arith.constant 0 : index
    %get3A_0 = vector.load %arg0[%get3A] : memref<320000xf32, #tpu.memory_space<vmem>>, vector<320000xf32>
    %add3A = arith.constant 9.99999996E-13 : f32
    %add3A_1 = vector.broadcast %add3A : f32 to vector<320000xf32>
    %add3A_2 = arith.addf %get3A_0, %add3A_1 : vector<320000xf32>
    %sqrt3A = math.sqrt %add3A_2 : vector<320000xf32>
    %mul3A = arith.constant 319.84375 : f32
    %mul3A_3 = vector.broadcast %mul3A : f32 to vector<320000xf32>
    %mul3A_4 = arith.mulf %sqrt3A, %mul3A_3 : vector<320000xf32>
    %add3A_5 = arith.constant 5.000000e-01 : f32
    %add3A_6 = vector.broadcast %add3A_5 : f32 to vector<320000xf32>
    %add3A_7 = arith.addf %mul3A_4, %add3A_6 : vector<320000xf32>
    %convert_element_type3A = arith.fptosi %add3A_7 : vector<320000xf32> to vector<320000xi32>
    %get3A_8 = arith.constant 0 : index
    %get3A_9 = vector.load %arg1[%get3A_8] : memref<320000xi32, #tpu.memory_space<vmem>>, vector<320000xi32>
    %min3A = arith.constant 2047 : i32
    %min3A_10 = vector.broadcast %min3A : i32 to vector<320000xi32>
    %min3A_11 = arith.minsi %convert_element_type3A, %min3A_10 : vector<320000xi32>
    %mul3A_12 = arith.constant 16384 : i32
    %mul3A_13 = vector.broadcast %mul3A_12 : i32 to vector<320000xi32>
    %mul3A_14 = arith.muli %min3A_11, %mul3A_13 : vector<320000xi32>
    %add3A_15 = arith.addi %get3A_9, %mul3A_14 : vector<320000xi32>
    %swap3A = arith.constant 0 : index
    %swap3A_16 = vector.load %arg2[%swap3A] : memref<320000xi32, #tpu.memory_space<vmem>>, vector<320000xi32>
    tpu.vector_store %arg2[%swap3A], %add3A_15 {strides = array<i32>} : memref<320000xi32, #tpu.memory_space<vmem>>, vector<320000xi32>,
    return
  }
}

module attributes {stable_mosaic.version = 14 : i64} {
  func.func @_update_body(%arg0: i32, %arg1: memref<128x1280xf32, #tpu.memory_space<vmem>>, %arg2: memref<32x1280xf32, #tpu.memory_space<vmem>>, %arg3: memref<128x128xf32, #tpu.memory_space<vmem>>, %arg4: memref<1x128xf32, #tpu.memory_space<vmem>>, %arg5: memref<128x128xf32, #tpu.memory_space<vmem>>, %arg6: memref<1x128xf32, #tpu.memory_space<vmem>>, %arg7: memref<1280x128xf32, #tpu.memory_space<vmem>>) attributes {dimension_semantics = [#tpu.dimension_semantics<arbitrary>], iteration_bounds = array<i64: 8>, scalar_prefetch = 0 : i64, scratch_operands = 0 : i64, tpu.core_type = #tpu.core_type<tc>, window_params = [{transform_indices = @transform_0, window_bounds = array<i64: 128, 1280>}, {transform_indices = @transform_1, window_bounds = array<i64: 32, 1280>}, {pipeline_mode = #tpu.pipeline_mode<synchronous>, transform_indices = @transform_2, window_bounds = array<i64: 128, 128>}, {pipeline_mode = #tpu.pipeline_mode<synchronous>, transform_indices = @transform_3, window_bounds = array<i64: 1, 128>}, {pipeline_mode = #tpu.pipeline_mode<synchronous>, transform_indices = @transform_4, window_bounds = array<i64: 128, 128>}, {pipeline_mode = #tpu.pipeline_mode<synchronous>, transform_indices = @transform_5, window_bounds = array<i64: 1, 128>}, {transform_indices = @transform_6, window_bounds = array<i64: 1280, 128>}]} {
    %get3A = arith.constant 0 : index
    %get3A_0 = arith.constant 0 : index
    %get3A_1 = vector.load %arg2[%get3A, %get3A_0] : memref<32x1280xf32, #tpu.memory_space<vmem>>, vector<32x1280xf32>
    %reduce_sum3A = arith.constant dense<0.000000e+00> : vector<1280xf32>
    %reduce_sum3A_2 = vector.multi_reduction <add>, %get3A_1, %reduce_sum3A [0] : vector<32x1280xf32> to vector<1280xf32>
    %broadcast_in_dim3A = vector.shape_cast %reduce_sum3A_2 : vector<1280xf32> to vector<1x1280xf32>
    %get3A_3 = arith.constant 0 : index
    %get3A_4 = arith.constant 0 : index
    %get3A_5 = vector.load %arg1[%get3A_3, %get3A_4] : memref<128x1280xf32, #tpu.memory_space<vmem>>, vector<128x1280xf32>
    %max3A = arith.constant 1.000000e+00 : f32
    %max3A_6 = vector.broadcast %max3A : f32 to vector<1x1280xf32>
    %max3A_7 = arith.maximumf %broadcast_in_dim3A, %max3A_6 : vector<1x1280xf32>
    %div3A = vector.broadcast %max3A_7 : vector<1x1280xf32> to vector<128x1280xf32>
    %div3A_8 = arith.divf %get3A_5, %div3A : vector<128x1280xf32>
    %transpose3A = tpu.transpose %div3A_8, [1, 0] : vector<128x1280xf32> -> vector<1280x128xf32>
    %get3A_9 = arith.constant 0 : index
    %get3A_10 = arith.constant 0 : index
    %get3A_11 = vector.load %arg3[%get3A_9, %get3A_10] : memref<128x128xf32, #tpu.memory_space<vmem>>, vector<128x128xf32>
    %dot_general3A = arith.constant dense<0.000000e+00> : vector<1280x128xf32>
    %dot_general3A_12 = tpu.matmul %transpose3A, %get3A_11, %dot_general3A {dimension_numbers = #tpu.dot_dimension_numbers<[1], [0], [0], [1], [0, 0, 1, 1], [], []>, transpose_lhs_hint = false} : vector<1280x128xf32>, vector<128x128xf32>, vector<1280x128xf32> -> vector<1280x128xf32>
    %get3A_13 = arith.constant 0 : index
    %get3A_14 = arith.constant 0 : index
    %get3A_15 = vector.load %arg4[%get3A_13, %get3A_14] : memref<1x128xf32, #tpu.memory_space<vmem>>, vector<1x128xf32>
    %add3A = vector.broadcast %get3A_15 : vector<1x128xf32> to vector<1280x128xf32>
    %add3A_16 = arith.addf %dot_general3A_12, %add3A : vector<1280x128xf32>
    %max3A_17 = arith.constant 0.000000e+00 : f32
    %max3A_18 = vector.broadcast %max3A_17 : f32 to vector<1280x128xf32>
    %max3A_19 = arith.maximumf %add3A_16, %max3A_18 : vector<1280x128xf32>
    %abs3A = math.absf %add3A_16 : vector<1280x128xf32>
    %neg3A = arith.constant 0.000000e+00 : f32
    %neg3A_20 = vector.broadcast %neg3A : f32 to vector<1280x128xf32>
    %neg3A_21 = arith.subf %neg3A_20, %abs3A : vector<1280x128xf32>
    %exp3A = math.exp %neg3A_21 : vector<1280x128xf32>
    %add3A_22 = arith.constant 1.000000e+00 : f32
    %add3A_23 = vector.broadcast %add3A_22 : f32 to vector<1280x128xf32>
    %add3A_24 = arith.addf %add3A_23, %exp3A : vector<1280x128xf32>
    %log3A = math.log %add3A_24 : vector<1280x128xf32>
    %add3A_25 = arith.addf %max3A_19, %log3A : vector<1280x128xf32>
    %sub3A = arith.constant 5.000000e-01 : f32
    %sub3A_26 = vector.broadcast %sub3A : f32 to vector<1280x128xf32>
    %sub3A_27 = arith.subf %add3A_25, %sub3A_26 : vector<1280x128xf32>
    %get3A_28 = arith.constant 0 : index
    %get3A_29 = arith.constant 0 : index
    %get3A_30 = vector.load %arg5[%get3A_28, %get3A_29] : memref<128x128xf32, #tpu.memory_space<vmem>>, vector<128x128xf32>
    %dot_general3A_31 = arith.constant dense<0.000000e+00> : vector<1280x128xf32>
    %dot_general3A_32 = tpu.matmul %sub3A_27, %get3A_30, %dot_general3A_31 {dimension_numbers = #tpu.dot_dimension_numbers<[1], [0], [0], [1], [0, 0, 1, 1], [], []>, transpose_lhs_hint = false} : vector<1280x128xf32>, vector<128x128xf32>, vector<1280x128xf32> -> vector<1280x128xf32>
    %get3A_33 = arith.constant 0 : index
    %get3A_34 = arith.constant 0 : index
    %get3A_35 = vector.load %arg6[%get3A_33, %get3A_34] : memref<1x128xf32, #tpu.memory_space<vmem>>, vector<1x128xf32>
    %add3A_36 = vector.broadcast %get3A_35 : vector<1x128xf32> to vector<1280x128xf32>
    %add3A_37 = arith.addf %dot_general3A_32, %add3A_36 : vector<1280x128xf32>
    %swap3A = arith.constant 0 : index
    %swap3A_38 = arith.constant 0 : index
    %swap3A_39 = vector.load %arg7[%swap3A, %swap3A_38] : memref<1280x128xf32, #tpu.memory_space<vmem>>, vector<1280x128xf32>
    tpu.vector_store %arg7[%swap3A, %swap3A_38], %add3A_37 {strides = array<i32>} : memref<1280x128xf32, #tpu.memory_space<vmem>>, vector<1280x128xf32>,
    return
  }
  func.func @transform_0(%arg0: i32) -> (i32, i32) {
    %c0_i32 = arith.constant 0 : i32
    %c0_i32_0 = arith.constant 0 : i32
    return %c0_i32, %arg0 : i32, i32
  }
  func.func @transform_1(%arg0: i32) -> (i32, i32) {
    %c0_i32 = arith.constant 0 : i32
    %c0_i32_0 = arith.constant 0 : i32
    return %c0_i32, %arg0 : i32, i32
  }
  func.func @transform_2(%arg0: i32) -> (i32, i32) {
    %c0_i32 = arith.constant 0 : i32
    %c0_i32_0 = arith.constant 0 : i32
    %c0_i32_1 = arith.constant 0 : i32
    return %c0_i32, %c0_i32_0 : i32, i32
  }
  func.func @transform_3(%arg0: i32) -> (i32, i32) {
    %c0_i32 = arith.constant 0 : i32
    %c0_i32_0 = arith.constant 0 : i32
    %c0_i32_1 = arith.constant 0 : i32
    return %c0_i32, %c0_i32_0 : i32, i32
  }
  func.func @transform_4(%arg0: i32) -> (i32, i32) {
    %c0_i32 = arith.constant 0 : i32
    %c0_i32_0 = arith.constant 0 : i32
    %c0_i32_1 = arith.constant 0 : i32
    return %c0_i32, %c0_i32_0 : i32, i32
  }
  func.func @transform_5(%arg0: i32) -> (i32, i32) {
    %c0_i32 = arith.constant 0 : i32
    %c0_i32_0 = arith.constant 0 : i32
    %c0_i32_1 = arith.constant 0 : i32
    return %c0_i32, %c0_i32_0 : i32, i32
  }
  func.func @transform_6(%arg0: i32) -> (i32, i32) {
    %c0_i32 = arith.constant 0 : i32
    %c0_i32_0 = arith.constant 0 : i32
    return %arg0, %c0_i32 : i32, i32
  }
}

</mosaic_0001>

<sc_bundles>
// kernel: kernel.11.cloned.1.call-start
scs
__scs_entry_jumppad:
0x0: {  	(pc) =	sbr.rel $0x88, $3  }
0x1: {  	(tag) =	ssettag $0x0;
	lr =	simm.s32 $0x1  }
0x2: {  	[smem:$0x3F96] =	sst lr;
	_ =	strace $0xD0000000  }
0x3: {  	_ = 	snop  }
0x4: {  	_ = 	snop  }
0x5: {  	_ = 	snop  }
0x6: {  	_ = 	snop  }
0x7: {  	_ = 	snop  }
__scs_overlays_trampoline_lowered:
0x8: {  	[smem:$0x3FA5] =	sst s0  }
0x9: {  	[smem:$0x3FA6] =	sst s1  }
0xa: {  	[smem:$0x3FA7] =	sst s2  }
0xb: {  	[smem:$0x3FA8] =	sst s3  }
0xc: {  	[smem:$0x3FA9] =	sst s4  }
0xd: {  	[smem:$0x3FAA] =	sst s5  }
0xe: {  	[smem:$0x3FAB] =	sst s6  }
0xf: {  	[smem:$0x3FAC] =	sst s7  }
0x10: {  	[smem:$0x3FAD] =	sst s8  }
0x11: {  	[smem:$0x3FAE] =	sst s9;
	s0 =	simm.s32 @!p0 $0x0  }
0x12: {  	s1 =	sld [smem:$0x3F94];
	s0 =	simm.s32 @p0 $0x1  }
0x13: {  	[smem:$0x3FAF] =	sst s0;
	s0 =	simm.s32 @!p1 $0x0  }
0x14: {  	s2 =	sld [smem:$0x3F93];
	s0 =	simm.s32 @p1 $0x1  }
0x15: {  	[smem:$0x3FB0] =	sst s0;
	s0 =	simm.s32 @!p2 $0x0  }
0x16: {  	s3 =	sld [smem:$0x3FDB];
	s0 =	simm.s32 @p2 $0x1  }
0x17: {  	s4 =	simm.s32 $0x1BF5;
	[smem:$0x3FB2] =	sst s0  }
0x18: {  	s0 =	sld [smem:$0x3F95];
	_ =	swait.ge [sflag:s4], $0x0  }
0x19: {  	s7 =	sld [smem:$0x3F96]  }
0x1a: {  	s8 =	sadd.s32 $0xFFFFE003, lr  }
0x1b: {  	s9 =	sadd.s32 $0xFFFFFEF7, lr;
	s5 =	simm.s32 $0xFFFFFFFF;
	p2 =	slt.u32 s8, $0xFFFFF086  }
0x1c: {  	p1 =	slt.u32 s9, $0xF7A;
	s5 =	simm.s32 @!p2 $0x0  }
0x1d: {  	s5 =	simm.s32 @p1 $0x1;
	p0 =	seq.s32 s7, s2  }
0x1e: {  	s7 =	smul.u32 @!p0 $0xF7A, s2;
	p2 =	seq.s32 @!p0 s5, $0x0  }
0x1f: {  	s9 =	smul.u32 $0xF7A, s1;
	s8 =	simm.s32 @!p0 $0x1BF5;
	p2 =	por !p2, p0  }
0x20: {  	[sflag:s8] =	ssyncset.s32 @!p0 $0xFFFFF086;
	s6 =	sadd.s32 @!p0 s3, s7;
	s7 =	simm.s32 @!p0 $0x108  }
0x21: {  	s3 =	sadd.s32 s3, s9;
	s6 =	sadd.s32 @!p0 $0x88, s6;
	s7 =	simm.s32 @p2 $0x1082  }
0x22: {  	[simem:s7], [sflag:s8] =	dma.local @!p0 [hbm:s6], $0xF7A  }
0x23: {  	s9 =	sor.u32 $0xD0000000, s2;
	s6 =	simm.s32 $0x108;
	_ =	swait.ge @!p0 [sflag:s8], $0x0  }
0x24: {  	s3 =	sadd.s32 $0x88, s3;
	s6 =	simm.s32 @!p1 $0x1082;
	[sflag:s4] =	ssyncset.s32 $0xFFFFF086  }
0x25: {  	[simem:s6], [sflag:s4] =	dma.local [hbm:s3], $0xF7A  }
0x26: {  	[smem:$0x3F96] =	sst s1;
	(tag) =	ssettag s2;
	_ =	strace s9  }
0x27: {  	s1 =	sld [smem:$0x3FA6]  }
0x28: {  	s2 =	sld [smem:$0x3FA7]  }
0x29: {  	s4 =	sld [smem:$0x3FA9]  }
0x2a: {  	p0 =	seq.s32 s5, $0x0;
	s5 =	sld [smem:$0x3FAA]  }
0x2b: {  	s6 =	sld [smem:$0x3FAB]  }
0x2c: {  	s7 =	sld [smem:$0x3FAC]  }
0x2d: {  	s3 =	simm.s32 $0x108;
	s8 =	sld [smem:$0x3FAD]  }
0x2e: {  	s3 =	simm.s32 @!p0 $0x1082;
	s9 =	sld [smem:$0x3FAE]  }
0x2f: {  	lr =	sadd.s32 s0, s3;
	s0 =	sld [smem:$0x3FA5]  }
0x30: {  	s3 =	sld [smem:$0x3FA8]  }
0x31: {  	[smem:$0x3FB1] =	sst s10  }
0x32: {  	s10 =	sld [smem:$0x3FAF];
	_ =	sdelay $0x3  }
0x33: {  	p0 =	seq.s32 s10, $0x1;
	s10 =	sld [smem:$0x3FB1];
	_ =	sdelay $0x3  }
0x34: {  	[smem:$0x3FB1] =	sst s10  }
0x35: {  	s10 =	sld [smem:$0x3FB0];
	_ =	sdelay $0x3  }
0x36: {  	p1 =	seq.s32 s10, $0x1;
	s10 =	sld [smem:$0x3FB1];
	_ =	sdelay $0x3  }
0x37: {  	[smem:$0x3FB1] =	sst s10  }
0x38: {  	s10 =	sld [smem:$0x3FB2]  }
0x39: {  	_ = 	snop;
	(pc) =	sbr.ind lr, $3  }
0x3a: {  	_ = 	snop  }
0x3b: {  	_ = 	snop  }
0x3c: {  	p2 =	seq.s32 s10, $0x1;
	s10 =	sld [smem:$0x3FB1]  }
0x3d: {  	_ =	shalt  }
0x3e: {  	_ =	shalt  }
0x3f: {  	_ =	shalt  }
0x40: {  	_ =	shalt  }
0x41: {  	_ =	shalt  }
0x42: {  	_ =	shalt  }
0x43: {  	_ =	shalt  }
0x44: {  	_ =	shalt  }
0x45: {  	_ =	shalt  }
0x46: {  	_ =	shalt  }
0x47: {  	_ =	shalt  }
0x48: {  	_ =	shalt  }
0x49: {  	_ =	shalt  }
0x4a: {  	_ =	shalt  }
0x4b: {  	_ =	shalt  }
0x4c: {  	_ =	shalt  }
0x4d: {  	_ =	shalt  }
0x4e: {  	_ =	shalt  }
0x4f: {  	_ =	shalt  }
0x50: {  	_ =	shalt  }
0x51: {  	_ =	shalt  }
0x52: {  	_ =	shalt  }
0x53: {  	_ =	shalt  }
0x54: {  	_ =	shalt  }
0x55: {  	_ =	shalt  }
0x56: {  	_ =	shalt  }
0x57: {  	_ =	shalt  }
0x58: {  	_ =	shalt  }
0x59: {  	_ =	shalt  }
0x5a: {  	_ =	shalt  }
0x5b: {  	_ =	shalt  }
0x5c: {  	_ =	shalt  }
0x5d: {  	_ =	shalt  }
0x5e: {  	_ =	shalt  }
0x5f: {  	_ =	shalt  }
0x60: {  	_ =	shalt  }
0x61: {  	_ =	shalt  }
0x62: {  	_ =	shalt  }
0x63: {  	_ =	shalt  }
0x64: {  	_ =	shalt  }
0x65: {  	_ =	shalt  }
0x66: {  	_ =	shalt  }
0x67: {  	_ =	shalt  }
0x68: {  	_ =	shalt  }
0x69: {  	_ =	shalt  }
0x6a: {  	_ =	shalt  }
0x6b: {  	_ =	shalt  }
0x6c: {  	_ =	shalt  }
0x6d: {  	_ =	shalt  }
0x6e: {  	_ =	shalt  }
0x6f: {  	_ =	shalt  }
0x70: {  	_ =	shalt  }
0x71: {  	_ =	shalt  }
0x72: {  	_ =	shalt  }
0x73: {  	_ =	shalt  }
0x74: {  	_ =	shalt  }
0x75: {  	_ =	shalt  }
0x76: {  	_ =	shalt  }
0x77: {  	_ =	shalt  }
0x78: {  	_ =	shalt  }
0x79: {  	_ =	shalt  }
0x7a: {  	_ =	shalt  }
0x7b: {  	_ =	shalt  }
0x7c: {  	_ =	shalt  }
0x7d: {  	_ =	shalt  }
0x7e: {  	_ =	shalt  }
0x7f: {  	_ =	shalt  }
0x80: {  	_ =	shalt  }
0x81: {  	_ =	shalt  }
0x82: {  	_ =	shalt  }
0x83: {  	_ =	shalt  }
0x84: {  	_ =	shalt  }
0x85: {  	_ =	shalt  }
0x86: {  	_ =	shalt  }
0x87: {  	_ =	shalt  }
.Lfunc_end0:
.L_simem_size_0:
called_computation.1_lowered:
.L_overlay_start_0:
0x88: {  	s2 =	sld [smem:$0x3FD9]  }
0x89: {  	s3 =	sld [smem:$0x3FFE];
	_ =	sdelay $0x1  }
0x8a: {  	s1 =	srdreg.scid  }
0x8b: {  	s0 =	sand.u32 $0x1, s1  }
0x8c: {  	s14 =	sshll.u32 s0, $0xA;
	s2 =	sadd.s32 s3, s2  }
0x8d: {  	s2 =	sadd.s32 s2, s14  }
0x8e: {  	[smem:$0x3FBD] =	sst s2  }
0x8f: {  	_ = 	snop  }
0x90: {  	s2 =	sld [smem:$0x3FD0];
	_ =	sdelay $0x2  }
0x91: {  	s15 =	simm.s32 $0xA;
	s4 =	simm.s32 $0x10  }
0x92: {  	[smem:s4], [sflag:s15] =	dma.local [hbm:s2], $0x1  }
0x93: {  	_ =	swait.eq [sflag:s15], $0x1  }
0x94: {  	[sflag:s15] =	ssyncset.done $0x0  }
0x95: {  	[sflag:s15] =	ssyncadd.s32 $0xFFFFFFFF  }
0x96: {  	s16 =	sld [smem:$0x10];
	(tm) =	ssettm $0x1  }
0x97: {  	s17 =	sld [smem:$0x3FFB];
	_ =	sdelay $0x3  }
0x98: {  	_ =	strace s17  }
0x99: {  	s3 =	sld [smem:$0x3FFC];
	_ =	sdelay $0x3  }
0x9a: {  	_ =	strace s3  }
0x9b: {  	s3 =	sld [smem:$0x3FFD];
	_ =	sdelay $0x3  }
0x9c: {  	_ =	strace s3  }
0x9d: {  	_ =	strace $0x8FFFFFFF  }
0x9e: {  	s18 =	sld [smem:$0x3FDB];
	_ =	sdelay $0x1  }
0x9f: {  	s19 =	simm.s32 $_scs_section_size  }
0xa0: {  	s5 =	simm.s32 $_size__tile_overlayer_lowered;
	s6 =	simm.s32 $_tile_overlayer_lowered  }
0xa1: {  	s22 =	simm.s32 $0x1BFF;
	s21 =	sshll.u32 s6, $0x1;
	s3 =	sadd.s32 s19, s18  }
0xa2: {  	s7 =	simm.s32 $0x0;
	s20 =	sshll.u32 s5, $0x1;
	s5 =	sadd.s32 s21, s3  }
0xa3: {  	[timem:s7], [sflag:s22] =	dma.local [hbm:s5], s20  }
0xa4: {  	_ =	swait.ge [sflag:s22], s20  }
0xa5: {  	s4 =	ssub.s32 $0x0, s20;
	[sflag:s22] =	ssyncset.done $0x0  }
0xa6: {  	[sflag:s22] =	ssyncadd.s32 s4;
	_ =	sdelay $0x1  }
0xa7: {  	s23 =	simm.s32 $0x1B8B  }
0xa8: {  	_ =	swait.ge [sflag:s23], $0x1  }
0xa9: {  	[sflag:s23] =	ssyncset.done $0x0  }
0xaa: {  	s25 =	simm.s32 $0x1B8E;
	s24 =	sld [smem:$0x3FFE];
	[sflag:s23] =	ssyncadd.s32 $0xFFFFFFFF  }
0xab: {  	s26 =	simm.s32 $execute0_lowered;
	[smem:$0x3FD2] =	sst s25  }
0xac: {  	s5 =	sshll.u32 s26, $0x1;
	_ =	strace $0x80000049;
	[dreg:$0x1] =	wrdreg $0xFFFFFFFF  }
0xad: {  	s28 =	simm.s32 $_size_execute0_lowered;
	s3 =	sadd.s32 s3, s5;
	[dreg:$0x0] =	wrdreg $0x0  }
0xae: {  	s5 =	sshll.u32 s28, $0x1;
	[dreg:$0x2] =	wrdreg s3  }
0xaf: {  	[dreg:$0x3] =	wrdreg s5  }
0xb0: {  	[dreg:$0x4] =	wrdreg $0xC0  }
0xb1: {  	_ =	task [dreg:s7], $0x5FFFF  }
0xb2: {  	[dreg:$0x1] =	wrdreg $0xFFFFFFFF  }
0xb3: {  	[dreg:$0x0] =	wrdreg $0x60  }
0xb4: {  	[dreg:$0x2] =	wrdreg s24  }
0xb5: {  	[dreg:$0x3] =	wrdreg s16  }
0xb6: {  	[dreg:$0x4] =	wrdreg $0x9  }
0xb7: {  	_ =	task.clear_ibuf [dreg:s7], $0x5FFFF;
	_ =	strace $0x90000049  }
0xb8: {  	s29 =	simm.s32 $0x9;
	_ =	strace $0x8000004B  }
0xb9: {  	_ =	swait.ge [sflag:s29], $0x1  }
0xba: {  	[sflag:s29] =	ssyncadd.s32 $0xFFFFFFFF  }
0xbb: {  	_ =	strace $0x9000004B  }
0xbc: {  	_ =	sfence  }
0xbd: {  	s30 =	sld [smem:$0x0];
	_ =	sdelay $0x2  }
0xbe: {  	s31 =	sshll.u32 s1, $0xD;
	s1 =	sshrl.u32 s1, $0x2  }
0xbf: {  	s3 =	sand.u32 $0x4000, s31;
	s1 =	sadd.s32 s1, s30  }
0xc0: {  	s0 =	sor.u32 s3, s0;
	s1 =	sshll.u32 s1, $0x11  }
0xc1: {  	s0 =	sor.u32 s1, s0  }
0xc2: {  	s0 =	sadd.s32 $0x8F2B, s0  }
0xc3: {  	[sflag:s0] =	ssyncadd.remote.s32 $0x1  }
0xc4: {  	_ =	sfence.sel $0xFFFF  }
0xc5: {  	[dreg:$0x0] =	wrdreg $0xFFFFFFFF;
	(pc) =	sbr.abs _section_cstart, $3  }
0xc6: {  	[dreg:$0x1] =	wrdreg $0xFFFFFFFF  }
0xc7: {  	_ =	task.clear_ibuf [dreg:s7], $0x2FFFF;
	_ =	strace $0x9FFFFFFF  }
0xc8: {  	(tm) =	ssettm $0x7FFFFFFF  }
0xc9: {  	_ =	shalt  }
tec
execute0_lowered:
.L_overlay_start_1:
0x0: {  	(tag) =	ssettag $0x1  }
0x1: {  	s5 =	rddreg [dreg:$0x0]  }
0x2: {  	s6 =	rddreg [dreg:$0x1]  }
0x3: {  	s0 =	rddreg [dreg:$0x2];
	s3 =	srdreg.scid  }
0x4: {  	s1 =	stileid.u32;
	s2 =	simm.s32 $0x0;
	s12 =	simm.s32 $0x3  }
0x5: {  	s13 =	simm.s32 $0xF000;
	s14 =	simm.s32 $0x10000;
	s15 =	simm.s32 $0x12000  }
0x6: {  	s16 =	simm.s32 $0x1;
	s17 =	simm.s32 $0x11000;
	s18 =	simm.s32 $0x13000  }
0x7: {  	s19 =	simm.s32 $0x5000;
	s20 =	simm.s32 $0x2;
	s21 =	simm.s32 $0x0  }
0x8: {  	s7 =	sand.u32 $0x1, s3;
	s26 =	sshll.u32 s1, $0x9;
	s4 =	sshrl.u32 s1, $0x1  }
0x9: {  	[smem:$0x7FF] =	sst s2;
	s11 =	sadd.s32 $0x2EC00, s5;
	s8 =	sshll.u32 s7, $0x8  }
0xa: {  	s3 =	sand.u32 $0x200, s26;
	s28 =	sshll.u32 s4, $0xE;
	_ =	strace $0x8000004A  }
0xb: {  	s10 =	smul.u32 $0x14000, s4;
	s4 =	sadd.s32 $0x16E00, s5;
	s7 =	ssub.s32 $0x2, s7  }
0xc: {  	s8 =	sor.u32 s8, s3;
	s3 =	sadd.s32 $0x3400, s5;
	s29 =	sshrl.u32 s7, $0x1  }
0xd: {  	s9 =	sor.u32 s28, s8;
	s8 =	sor.u32 s10, s8;
	s30 =	ssub.s32 s7, s29  }
0xe: {  	s10 =	simm.s32 $0x100;
	s9 =	sshrl.u32 s9, $0x3;
	s31 =	sshrl.u32 s8, $0x3  }
0xf: {  	s8 =	sadd.s32 $0xA0000, s8;
	s9 =	sadd.s32 s9, s5;
	s5 =	sadd.s32 s6, s31  }
0x10: {  	s8 =	sshrl.u32 s8, $0x3;
	s7 =	sadd.s32 s11, s31;
	s6 =	sadd.s32 $0x2AC00, s9  }
0x11: {  	v0 =	vimm.f32 $0.0e+00;
	s8 =	sadd.s32 s11, s8;
	s9 =	smax.u32 s30, $0x1;
	s11 =	simm.s32 $0x400  }
.LBB2_1:
0x12: {  	[tilespmem:s2], [sflag:$0x3] =	stream.strided.gather [hbm4b:s5+s10], $0x5000, s11, s10, $0x38;
	[tilespmem:$0x14000] =	vst v63  }
0x13: {  	_ =	swait.ge [sflag:s12], $0x5000  }
0x14: {  	[sflag:s12] =	ssyncset.done $0x0  }
0x15: {  	[sflag:s12] =	ssyncadd.s32 $0xFFFFB000  }
0x16: {  	[tilespmem:s13], [sflag:$0x3] =	stream.strided.gather [hbm4b:s6+s10], $0x1000, s11, s10, $0x38;
	[tilespmem:$0x14000] =	vst v63  }
0x17: {  	s22 =	simm.s32 $0x0;
	s23 =	sand.u32 $0x3, s2;
	_ =	swait.ge [sflag:s12], $0x1000  }
0x18: {  	s25 =	sand.u32 $0xFE00, s2;
	s24 =	sand.u32 $0x60, s22;
	[sflag:s12] =	ssyncset.done $0x0  }
0x19: {  	s26 =	sshll.u32 s23, $0x5;
	s23 =	sor.u32 s24, s25;
	[sflag:s12] =	ssyncadd.s32 $0xFFFFF000  }
0x1a: {  	[tilespmem:s23+$0x5010] =	vst v0  }
0x1b: {  	s30 =	sadd.s32 $0x0, s26;
	[tilespmem:s23+$0x5090] =	vst v0  }
0x1c: {  	s31 =	sadd.s32 $0x10, s30;
	[tilespmem:s23+$0x5110] =	vst v0  }
0x1d: {  	s25 =	sor.u32 $0x180, s31;
	[tilespmem:s23+$0x5000] =	vst v0  }
0x1e: {  	s26 =	simm.s32 $0x0;
	s24 =	sor.u32 $0x180, s30;
	[tilespmem:s25+$0x5000] =	vst v0;
	s25 =	simm.s32 $0x0  }
.LBB2_2:
0x1f: {  	s22 =	sadd.s32 $0x20, s22;
	[tilespmem:s23+$0x5080] =	vst v0;
	s25 =	sadd.s32 $0x80, s25;
	s26 =	sadd.s32 $0x1, s26  }
0x20: {  	s28 =	sand.u32 $0x3, s26;
	s29 =	sand.u32 $0x60, s22;
	s30 =	sand.u32 $0xFE00, s25;
	[tilespmem:s23+$0x5100] =	vst v0  }
0x21: {  	p0 =	slt.u32 s22, $0x27E0;
	s28 =	sshll.u32 s28, $0x5;
	s23 =	sor.u32 s29, s30;
	[tilespmem:s24+$0x5000] =	vst v0  }
.Ltmp0:
0x22: {  	s28 =	sadd.s32 s28, s25;
	[tilespmem:s23+$0x5010] =	vst v0;
	(pc) =	sbr.rel @p0 .LBB2_2-.Ltmp0, $4  }
0x23: {  	s24 =	sor.u32 $0x180, s28;
	[tilespmem:s23+$0x5090] =	vst v0;
	s28 =	sadd.s32 $0x10, s28  }
0x24: {  	[tilespmem:s23+$0x5110] =	vst v0;
	s28 =	sor.u32 $0x180, s28  }
0x25: {  	[tilespmem:s28+$0x5000] =	vst v0  }
0x26: {  	[tilespmem:s23+$0x5000] =	vst v0  }
0x27: {  	[tilespmem:s23+$0x5080] =	vst v0  }
0x28: {  	[tilespmem:s23+$0x5100] =	vst v0  }
0x29: {  	s22 =	simm.s32 $0x0;
	[tilespmem:s24+$0x5000] =	vst v0  }
0x2a: {  	[tilespmem:s14], [sflag:$0x1] =	stream.linear.gather [hbm4b:s3+s22], $0xFA0, $0x38;
	[tilespmem:$0x14000] =	vst v63  }
0x2b: {  	_ = 	snop  }
0x2c: {  	[tilespmem:s15], [sflag:$0x1] =	stream.linear.gather [hbm4b:s4+s22], $0xFA0, $0x38;
	[tilespmem:$0x14000] =	vst v63  }
.LBB2_4:
0x2d: {  	_ =	swait.ge [sflag:s16], $0xFA0  }
0x2e: {  	s23 =	smul.u32 $0x1F40, s22;
	[sflag:s16] =	ssyncset.done $0x0  }
0x2f: {  	[sflag:s16] =	ssyncadd.s32 $0xFFFFF060  }
0x30: {  	s24 =	sshrl.u32 s23, $0x3;
	_ =	swait.ge [sflag:s16], $0xFA0  }
0x31: {  	s24 =	sadd.s32 $0x1F4, s24;
	[sflag:s16] =	ssyncset.done $0x0  }
0x32: {  	s25 =	sadd.s32 s3, s24;
	[sflag:s16] =	ssyncadd.s32 $0xFFFFF060  }
0x33: {  	[tilespmem:s17], [sflag:$0x2] =	stream.linear.gather [hbm4b:s25+s2], $0xFA0, $0x38;
	[tilespmem:$0x14000] =	vst v63  }
0x34: {  	s30 =	simm.s32 $0x12000;
	s24 =	sadd.s32 s4, s24  }
0x35: {  	[tilespmem:s18], [sflag:$0x2] =	stream.linear.gather [hbm4b:s24+s2], $0xFA0, $0x38;
	[tilespmem:$0x14000] =	vst v63  }
0x36: {  	v1 =	vld [tilespmem:s30+$0x0];
	_ =	sdelay $0x2  }
0x37: {  	s31 =	simm.s32 $0x12010  }
0x38: {  	s28 =	simm.s32 $0x12020;
	v5 =	vld [tilespmem:s31+$0x0]  }
0x39: {  	s29 =	simm.s32 $0x10020;
	v11 =	vld [tilespmem:s28+$0x0];
	v2 =	vshll.u32 v1, $0x1;
	v3 =	vand.u32 $0x7F, v1  }
0x3a: {  	v15 =	vld [tilespmem:s29+$0x0];
	v4 =	vshrl.u32 v1, $0xE;
	v1 =	vshrl.u32 v1, $0xD;
	v2 =	vand.u32 $0x7F00, v2  }
0x3b: {  	v1 =	vand.u32 $0x7FF00, v1;
	v2 =	vor.u32 v3, v2;
	v3 =	vand.u32 $0x7F, v4  }
0x3c: {  	s25 =	simm.s32 $0x10000;
	v1 =	vor.u32 v3, v1  }
0x3d: {  	v3 =	vld [tilespmem:s25+$0x0]  }
0x3e: {  	s26 =	simm.s32 $0x10010;
	v7 =	vshll.u32 v5, $0x1;
	v9 =	vshrl.u32 v5, $0xE;
	v10 =	vshrl.u32 v5, $0xD  }
0x3f: {  	v5 =	vand.u32 $0x7F, v5;
	v17 =	vshrl.u32 v11, $0xD;
	v21 =	vshll.u32 v15, $0x2;
	v4 =	vld [tilespmem:s26+$0x0]  }
0x40: {  	v15 =	vand.u32 $0x7F, v15;
	v7 =	vand.u32 $0x7F00, v7;
	v9 =	vand.u32 $0x7F, v9;
	v8 =	vld.idx.msk [tilespmem:v2+s2+$0x0], $0xffff  }
0x41: {  	v10 =	vand.u32 $0x7FF00, v10;
	v5 =	vor.u32 v5, v7;
	v6 =	vor.u32 $0x80, v1;
	v1 =	vld.idx.msk [tilespmem:v1+s13+$0x0], $0xffff  }
0x42: {  	v63 =	vand.u32 $0xFFFFFE00, v21;
	v7 =	vor.u32 $0x80, v2;
	v2 =	vshll.u32 v3, $0x2  }
0x43: {  	v9 =	vor.u32 v9, v10;
	v3 =	vand.u32 $0x7F, v3;
	v2 =	vand.u32 $0xFFFFFE00, v2  }
0x44: {  	v17 =	vand.u32 $0x7FF00, v17;
	v15 =	vor.u32 v15, v63;
	v14 =	vor.u32 v3, v2  }
0x45: {  	v10 =	vor.u32 $0x80, v9;
	v22 =	vor.u32 $0x80, v5;
	v16 =	vor.u32 $0x100, v14  }
0x46: {  	s30 =	simm.s32 $0x12030;
	v13 =	vshll.u32 v4, $0x2;
	v5 =	vld.idx.msk [tilespmem:v5+s2+$0x0], $0xffff;
	v12 =	vshll.u32 v8, $0x10;
	v3 =	vshll.u32 v1, $0x10  }
0x47: {  	v18 =	vld [tilespmem:s30+$0x0];
	v8 =	vand.u32 $0xFFFF0000, v8;
	v1 =	vand.u32 $0xFFFF0000, v1;
	v3 =	vmul.f32 v12, v3  }
0x48: {  	v9 =	vld.idx.msk [tilespmem:v9+s13+$0x0], $0xffff;
	v2 =	vshll.u32 v11, $0x1;
	v12 =	vshrl.u32 v11, $0xE;
	v1 =	vmul.f32 v8, v1  }
0x49: {  	v2 =	vand.u32 $0x7F00, v2;
	v8 =	vand.u32 $0x7F, v11;
	v12 =	vand.u32 $0x7F, v12;
	[tilespmem:v14+s19+$0x0] =	vst.idx.add.f32.msk $0xffff, v3  }
0x4a: {  	v11 =	vand.u32 $0x7F, v4;
	v8 =	vor.u32 v8, v2;
	v17 =	vor.u32 v12, v17;
	[tilespmem:v16+s19+$0x0] =	vst.idx.add.f32.msk $0xffff, v1  }
0x4b: {  	v3 =	vor.u32 $0x80, v8;
	v12 =	vshll.u32 v5, $0x10;
	v1 =	vand.u32 $0xFFFFFE00, v13;
	v19 =	vld.idx.msk [tilespmem:v6+s13+$0x0], $0xffff  }
0x4c: {  	s31 =	simm.s32 $0x10030;
	v5 =	vand.u32 $0xFFFF0000, v5;
	v4 =	vor.u32 $0x80, v17;
	v2 =	vor.u32 v11, v1;
	v11 =	vld.idx.msk [tilespmem:v7+s2+$0x0], $0xffff  }
0x4d: {  	s25 =	simm.s32 $0x12040;
	v13 =	vshll.u32 v9, $0x10;
	v16 =	vand.u32 $0xFFFF0000, v9;
	v9 =	vor.u32 $0x80, v14;
	v7 =	vld [tilespmem:s31+$0x0]  }
0x4e: {  	v1 =	vor.u32 $0x180, v14;
	v5 =	vmul.f32 v5, v16;
	v16 =	vld [tilespmem:s25+$0x0];
	v24 =	vor.u32 $0x100, v2  }
0x4f: {  	s24 =	simm.s32 $0x10040;
	v13 =	vmul.f32 v12, v13;
	v12 =	vshrl.u32 v18, $0xE;
	v14 =	vshrl.u32 v18, $0xD;
	v23 =	vld.idx.msk [tilespmem:v8+s2+$0x0], $0xffff  }
0x50: {  	v6 =	vshll.u32 v18, $0x1;
	v12 =	vand.u32 $0x7F, v12;
	v14 =	vand.u32 $0x7FF00, v14;
	v8 =	vld [tilespmem:s24+$0x0]  }
0x51: {  	v18 =	vand.u32 $0x7F, v18;
	v6 =	vand.u32 $0x7F00, v6;
	v12 =	vor.u32 v12, v14;
	v14 =	vld.idx.msk [tilespmem:v17+s13+$0x0], $0xffff  }
0x52: {  	v18 =	vor.u32 v18, v6;
	v6 =	vor.u32 $0x80, v12;
	v17 =	vshll.u32 v19, $0x10;
	[tilespmem:v2+s19+$0x0] =	vst.idx.add.f32.msk $0xffff, v13  }
0x53: {  	v25 =	vand.u32 $0xFFFF0000, v11;
	v11 =	vshll.u32 v11, $0x10;
	v13 =	vor.u32 $0x80, v18;
	[tilespmem:v24+s19+$0x0] =	vst.idx.add.f32.msk $0xffff, v5  }
0x54: {  	v19 =	vand.u32 $0xFFFF0000, v19;
	v21 =	vmul.f32 v11, v17;
	v17 =	vshll.u32 v7, $0x2;
	v5 =	vld.idx.msk [tilespmem:v10+s13+$0x0], $0xffff  }
0x55: {  	s26 =	simm.s32 $0x40;
	v20 =	vshll.u32 v23, $0x10;
	v10 =	vmul.f32 v25, v19;
	v19 =	vand.u32 $0xFFFF0000, v23;
	v11 =	vld.idx.msk [tilespmem:v22+s2+$0x0], $0xffff  }
.LBB2_5:
0x56: {  	s26 =	sadd.s32 $0x10, s26;
	v22 =	vshll.u32 v16, $0x1;
	v23 =	vshll.u32 v14, $0x10;
	v24 =	vor.u32 $0x180, v2;
	[tilespmem:v9+s19+$0x0] =	vst.idx.add.f32.msk $0xffff, v21;
	v25 =	vmovc v3;
	v3 =	vmovc v13  }
0x57: {  	s25 =	sadd.s32 $0x10, s25;
	v13 =	vand.u32 $0xFFFF0000, v14;
	v9 =	vor.u32 $0x80, v2;
	v2 =	vmovc v15;
	p0 =	slt.u32 s26, $0xF90;
	v26 =	vld.idx.msk [tilespmem:v18+s2+$0x0], $0xffff;
	v20 =	vmul.f32 v20, v23  }
0x58: {  	v14 =	vshrl.u32 v16, $0xE;
	v15 =	vshrl.u32 v16, $0xD;
	s24 =	sadd.s32 $0x10, s24;
	v21 =	vor.u32 $0x100, v2;
	[tilespmem:v1+s19+$0x0] =	vst.idx.add.f32.msk $0xffff, v10;
	v1 =	vmovc v24  }
0x59: {  	v15 =	vand.u32 $0x7FF00, v15;
	v19 =	vmul.f32 v19, v13;
	v10 =	vand.u32 $0x7F, v14;
	v23 =	vld [tilespmem:s24+$0x0]  }
0x5a: {  	v13 =	vand.u32 $0x7F, v16;
	v14 =	vld.idx.msk [tilespmem:v12+s13+$0x0], $0xffff;
	v12 =	vor.u32 v10, v15;
	v10 =	vshll.u32 v5, $0x10  }
.Ltmp1:
0x5b: {  	v15 =	vand.u32 $0x7F00, v22;
	v22 =	vand.u32 $0x7F, v7;
	v24 =	vand.u32 $0xFFFF0000, v11;
	v7 =	vmovc v8;
	v16 =	vld [tilespmem:s25+$0x0];
	(pc) =	sbr.rel @p0 .LBB2_5-.Ltmp1, $4  }
0x5c: {  	v28 =	vshll.u32 v11, $0x10;
	v18 =	vor.u32 v13, v15;
	v27 =	vor.u32 $0x80, v12;
	[tilespmem:v2+s19+$0x0] =	vst.idx.add.f32.msk $0xffff, v20  }
0x5d: {  	v11 =	vand.u32 $0xFFFF0000, v5;
	v13 =	vor.u32 $0x80, v18;
	v20 =	vshll.u32 v26, $0x10;
	[tilespmem:v21+s19+$0x0] =	vst.idx.add.f32.msk $0xffff, v19  }
0x5e: {  	v15 =	vand.u32 $0xFFFFFE00, v17;
	v21 =	vmul.f32 v28, v10;
	v10 =	vmul.f32 v24, v11;
	v5 =	vld.idx.msk [tilespmem:v4+s13+$0x0], $0xffff;
	v8 =	vmovc v23  }
0x5f: {  	v17 =	vshll.u32 v7, $0x2;
	v15 =	vor.u32 v22, v15;
	v19 =	vand.u32 $0xFFFF0000, v26;
	v4 =	vmovc v6;
	v6 =	vmovc v27;
	v11 =	vld.idx.msk [tilespmem:v25+s2+$0x0], $0xffff  }
0x60: {  	_ = 	snop  }
0x61: {  	v22 =	vshll.u32 v16, $0x1;
	v23 =	vshrl.u32 v16, $0xE  }
0x62: {  	v24 =	vshrl.u32 v16, $0xD;
	v16 =	vand.u32 $0x7F, v16;
	v22 =	vand.u32 $0x7F00, v22  }
0x63: {  	v23 =	vand.u32 $0x7F, v23;
	v24 =	vand.u32 $0x7FF00, v24;
	v16 =	vor.u32 v16, v22  }
0x64: {  	v18 =	vld.idx.msk [tilespmem:v18+s2+$0x0], $0xffff;
	v22 =	vshll.u32 v14, $0x10;
	v23 =	vor.u32 v23, v24  }
0x65: {  	v12 =	vld.idx.msk [tilespmem:v12+s13+$0x0], $0xffff;
	v20 =	vmul.f32 v20, v22;
	v22 =	vor.u32 $0x100, v15  }
0x66: {  	[tilespmem:v9+s19+$0x0] =	vst.idx.add.f32.msk $0xffff, v21  }
0x67: {  	v9 =	vand.u32 $0xFFFF0000, v14;
	v7 =	vand.u32 $0x7F, v7;
	v14 =	vand.u32 $0xFFFFFE00, v17;
	[tilespmem:v15+s19+$0x0] =	vst.idx.add.f32.msk $0xffff, v20  }
0x68: {  	v9 =	vmul.f32 v19, v9;
	v7 =	vor.u32 v7, v14;
	v14 =	vld.idx.msk [tilespmem:v16+s2+$0x0], $0xffff  }
0x69: {  	v19 =	vshll.u32 v8, $0x2;
	v8 =	vand.u32 $0x7F, v8;
	v20 =	vor.u32 $0x100, v7;
	v21 =	vld.idx.msk [tilespmem:v23+s13+$0x0], $0xffff  }
0x6a: {  	v17 =	vshll.u32 v18, $0x10;
	[tilespmem:v22+s19+$0x0] =	vst.idx.add.f32.msk $0xffff, v9;
	v9 =	vand.u32 $0xFFFF0000, v18;
	v18 =	vshll.u32 v12, $0x10  }
0x6b: {  	v12 =	vand.u32 $0xFFFF0000, v12;
	v4 =	vld.idx.msk [tilespmem:v4+s13+$0x0], $0xffff;
	v17 =	vmul.f32 v17, v18;
	v18 =	vand.u32 $0xFFFFFE00, v19  }
0x6c: {  	v3 =	vld.idx.msk [tilespmem:v3+s2+$0x0], $0xffff;
	v9 =	vmul.f32 v9, v12;
	v8 =	vor.u32 v8, v18  }
0x6d: {  	v16 =	vor.u32 $0x80, v16;
	[tilespmem:v7+s19+$0x0] =	vst.idx.add.f32.msk $0xffff, v17;
	v17 =	vor.u32 $0x100, v8  }
0x6e: {  	v12 =	vor.u32 $0x80, v23;
	v18 =	vshll.u32 v14, $0x10;
	[tilespmem:v20+s19+$0x0] =	vst.idx.add.f32.msk $0xffff, v9;
	v9 =	vshll.u32 v21, $0x10  }
0x6f: {  	v14 =	vand.u32 $0xFFFF0000, v14;
	v19 =	vand.u32 $0xFFFF0000, v21;
	v6 =	vld.idx.msk [tilespmem:v6+s13+$0x0], $0xffff;
	v9 =	vmul.f32 v18, v9  }
0x70: {  	v20 =	vshll.u32 v11, $0x10;
	v13 =	vld.idx.msk [tilespmem:v13+s2+$0x0], $0xffff;
	v14 =	vmul.f32 v14, v19  }
0x71: {  	v18 =	vor.u32 $0x180, v2;
	v2 =	vor.u32 $0x80, v2;
	v19 =	vshll.u32 v5, $0x10;
	[tilespmem:v8+s19+$0x0] =	vst.idx.add.f32.msk $0xffff, v9  }
0x72: {  	v5 =	vand.u32 $0xFFFF0000, v5;
	v9 =	vand.u32 $0xFFFF0000, v11;
	v11 =	vmul.f32 v20, v19;
	[tilespmem:v17+s19+$0x0] =	vst.idx.add.f32.msk $0xffff, v14  }
0x73: {  	v5 =	vmul.f32 v9, v5;
	v9 =	vor.u32 $0x180, v15;
	v14 =	vor.u32 $0x80, v15;
	v12 =	vld.idx.msk [tilespmem:v12+s13+$0x0], $0xffff  }
0x74: {  	v15 =	vshll.u32 v4, $0x10;
	v17 =	vand.u32 $0xFFFF0000, v3;
	v3 =	vshll.u32 v3, $0x10;
	v16 =	vld.idx.msk [tilespmem:v16+s2+$0x0], $0xffff  }
0x75: {  	[tilespmem:v1+s19+$0x0] =	vst.idx.add.f32.msk $0xffff, v10;
	v1 =	vand.u32 $0xFFFF0000, v4;
	v4 =	vor.u32 $0x80, v7;
	v3 =	vmul.f32 v3, v15  }
0x76: {  	v1 =	vmul.f32 v17, v1;
	[tilespmem:v2+s19+$0x0] =	vst.idx.add.f32.msk $0xffff, v11;
	v2 =	vor.u32 $0x180, v7;
	v7 =	vshll.u32 v6, $0x10  }
0x77: {  	v10 =	vshll.u32 v13, $0x10;
	v11 =	vor.u32 $0x80, v8;
	[tilespmem:v18+s19+$0x0] =	vst.idx.add.f32.msk $0xffff, v5;
	v5 =	vand.u32 $0xFFFF0000, v13  }
0x78: {  	[tilespmem:v14+s19+$0x0] =	vst.idx.add.f32.msk $0xffff, v3;
	v3 =	vand.u32 $0xFFFF0000, v6;
	v6 =	vmul.f32 v10, v7;
	v7 =	vor.u32 $0x180, v8  }
0x79: {  	[tilespmem:v9+s19+$0x0] =	vst.idx.add.f32.msk $0xffff, v1;
	v1 =	vmul.f32 v5, v3;
	v3 =	vshll.u32 v12, $0x10;
	v5 =	vshll.u32 v16, $0x10  }
0x7a: {  	[tilespmem:v4+s19+$0x0] =	vst.idx.add.f32.msk $0xffff, v6;
	v4 =	vand.u32 $0xFFFF0000, v16;
	v6 =	vand.u32 $0xFFFF0000, v12;
	v3 =	vmul.f32 v5, v3  }
0x7b: {  	[tilespmem:v2+s19+$0x0] =	vst.idx.add.f32.msk $0xffff, v1;
	v1 =	vmul.f32 v4, v6  }
0x7c: {  	[tilespmem:v11+s19+$0x0] =	vst.idx.add.f32.msk $0xffff, v3  }
0x7d: {  	[tilespmem:v7+s19+$0x0] =	vst.idx.add.f32.msk $0xffff, v1  }
0x7e: {  	_ =	swait.ge [sflag:s20], $0xFA0  }
0x7f: {  	[sflag:s20] =	ssyncset.done $0x0  }
0x80: {  	p0 =	seq.s32 s22, $0x27;
	[sflag:s20] =	ssyncadd.s32 $0xFFFFF060  }
0x81: {  	s23 =	sshrl.u32 @!p0 s23, $0x3;
	_ =	swait.ge [sflag:s20], $0xFA0  }
0x82: {  	s25 =	simm.s32 @!p0 $0x0;
	s23 =	sadd.s32 @!p0 $0x3E8, s23;
	[sflag:s20] =	ssyncset.done $0x0  }
0x83: {  	s26 =	simm.s32 @!p0 $0x10000;
	s24 =	sadd.s32 @!p0 s3, s23;
	[sflag:s20] =	ssyncadd.s32 $0xFFFFF060  }
0x84: {  	[tilespmem:s26], [sflag:$0x1] =	stream.linear.gather @!p0 [hbm4b:s24+s25], $0xFA0, $0x38;
	[tilespmem:$0x14000] =	vst v63  }
0x85: {  	s31 =	simm.s32 $0x13000;
	s23 =	sadd.s32 @!p0 s4, s23;
	s24 =	simm.s32 @!p0 $0x12000  }
0x86: {  	[tilespmem:s24], [sflag:$0x1] =	stream.linear.gather @!p0 [hbm4b:s23+s25], $0xFA0, $0x38;
	[tilespmem:$0x14000] =	vst v63  }
0x87: {  	v1 =	vld [tilespmem:s31+$0x0];
	_ =	sdelay $0x2  }
0x88: {  	s24 =	simm.s32 $0x13010  }
0x89: {  	s28 =	simm.s32 $0x13020;
	v5 =	vld [tilespmem:s24+$0x0]  }
0x8a: {  	s29 =	simm.s32 $0x11020;
	v11 =	vld [tilespmem:s28+$0x0];
	v2 =	vshll.u32 v1, $0x1;
	v3 =	vand.u32 $0x7F, v1  }
0x8b: {  	v15 =	vld [tilespmem:s29+$0x0];
	v4 =	vshrl.u32 v1, $0xE;
	v1 =	vshrl.u32 v1, $0xD;
	v2 =	vand.u32 $0x7F00, v2  }
0x8c: {  	v1 =	vand.u32 $0x7FF00, v1;
	v2 =	vor.u32 v3, v2;
	v3 =	vand.u32 $0x7F, v4  }
0x8d: {  	s25 =	simm.s32 $0x11000;
	v1 =	vor.u32 v3, v1  }
0x8e: {  	v3 =	vld [tilespmem:s25+$0x0]  }
0x8f: {  	s26 =	simm.s32 $0x11010;
	v7 =	vshll.u32 v5, $0x1;
	v9 =	vshrl.u32 v5, $0xE;
	v10 =	vshrl.u32 v5, $0xD  }
0x90: {  	v5 =	vand.u32 $0x7F, v5;
	v17 =	vshrl.u32 v11, $0xD;
	v21 =	vshll.u32 v15, $0x2;
	v4 =	vld [tilespmem:s26+$0x0]  }
0x91: {  	v15 =	vand.u32 $0x7F, v15;
	v7 =	vand.u32 $0x7F00, v7;
	v9 =	vand.u32 $0x7F, v9;
	v8 =	vld.idx.msk [tilespmem:v2+s2+$0x0], $0xffff  }
0x92: {  	v10 =	vand.u32 $0x7FF00, v10;
	v5 =	vor.u32 v5, v7;
	v6 =	vor.u32 $0x80, v1;
	v1 =	vld.idx.msk [tilespmem:v1+s13+$0x0], $0xffff  }
0x93: {  	v63 =	vand.u32 $0xFFFFFE00, v21;
	v7 =	vor.u32 $0x80, v2;
	v2 =	vshll.u32 v3, $0x2  }
0x94: {  	v9 =	vor.u32 v9, v10;
	v3 =	vand.u32 $0x7F, v3;
	v2 =	vand.u32 $0xFFFFFE00, v2  }
0x95: {  	v17 =	vand.u32 $0x7FF00, v17;
	v15 =	vor.u32 v15, v63;
	v14 =	vor.u32 v3, v2  }
0x96: {  	v10 =	vor.u32 $0x80, v9;
	v22 =	vor.u32 $0x80, v5;
	v16 =	vor.u32 $0x100, v14  }
0x97: {  	s30 =	simm.s32 $0x13030;
	v13 =	vshll.u32 v4, $0x2;
	v5 =	vld.idx.msk [tilespmem:v5+s2+$0x0], $0xffff;
	v12 =	vshll.u32 v8, $0x10;
	v3 =	vshll.u32 v1, $0x10  }
0x98: {  	v18 =	vld [tilespmem:s30+$0x0];
	v8 =	vand.u32 $0xFFFF0000, v8;
	v1 =	vand.u32 $0xFFFF0000, v1;
	v3 =	vmul.f32 v12, v3  }
0x99: {  	v9 =	vld.idx.msk [tilespmem:v9+s13+$0x0], $0xffff;
	v2 =	vshll.u32 v11, $0x1;
	v12 =	vshrl.u32 v11, $0xE;
	v1 =	vmul.f32 v8, v1  }
0x9a: {  	v2 =	vand.u32 $0x7F00, v2;
	v8 =	vand.u32 $0x7F, v11;
	v12 =	vand.u32 $0x7F, v12;
	[tilespmem:v14+s19+$0x0] =	vst.idx.add.f32.msk $0xffff, v3  }
0x9b: {  	v11 =	vand.u32 $0x7F, v4;
	v8 =	vor.u32 v8, v2;
	v17 =	vor.u32 v12, v17;
	[tilespmem:v16+s19+$0x0] =	vst.idx.add.f32.msk $0xffff, v1  }
0x9c: {  	v3 =	vor.u32 $0x80, v8;
	v12 =	vshll.u32 v5, $0x10;
	v1 =	vand.u32 $0xFFFFFE00, v13;
	v19 =	vld.idx.msk [tilespmem:v6+s13+$0x0], $0xffff  }
0x9d: {  	s31 =	simm.s32 $0x11030;
	v5 =	vand.u32 $0xFFFF0000, v5;
	v4 =	vor.u32 $0x80, v17;
	v2 =	vor.u32 v11, v1;
	v11 =	vld.idx.msk [tilespmem:v7+s2+$0x0], $0xffff  }
0x9e: {  	s24 =	simm.s32 $0x13040;
	v13 =	vshll.u32 v9, $0x10;
	v16 =	vand.u32 $0xFFFF0000, v9;
	v9 =	vor.u32 $0x80, v14;
	v7 =	vld [tilespmem:s31+$0x0]  }
0x9f: {  	v1 =	vor.u32 $0x180, v14;
	v5 =	vmul.f32 v5, v16;
	v16 =	vld [tilespmem:s24+$0x0];
	v62 =	vor.u32 $0x100, v2  }
0xa0: {  	s23 =	simm.s32 $0x11040;
	v13 =	vmul.f32 v12, v13;
	v12 =	vshrl.u32 v18, $0xE;
	v14 =	vshrl.u32 v18, $0xD;
	v23 =	vld.idx.msk [tilespmem:v8+s2+$0x0], $0xffff  }
0xa1: {  	v6 =	vshll.u32 v18, $0x1;
	v12 =	vand.u32 $0x7F, v12;
	v14 =	vand.u32 $0x7FF00, v14;
	v8 =	vld [tilespmem:s23+$0x0]  }
0xa2: {  	v18 =	vand.u32 $0x7F, v18;
	v6 =	vand.u32 $0x7F00, v6;
	v12 =	vor.u32 v12, v14;
	v14 =	vld.idx.msk [tilespmem:v17+s13+$0x0], $0xffff  }
0xa3: {  	v18 =	vor.u32 v18, v6;
	v6 =	vor.u32 $0x80, v12;
	v17 =	vshll.u32 v19, $0x10;
	[tilespmem:v2+s19+$0x0] =	vst.idx.add.f32.msk $0xffff, v13  }
0xa4: {  	v25 =	vand.u32 $0xFFFF0000, v11;
	v11 =	vshll.u32 v11, $0x10;
	v13 =	vor.u32 $0x80, v18;
	[tilespmem:v62+s19+$0x0] =	vst.idx.add.f32.msk $0xffff, v5  }
0xa5: {  	v19 =	vand.u32 $0xFFFF0000, v19;
	v21 =	vmul.f32 v11, v17;
	v17 =	vshll.u32 v7, $0x2;
	v5 =	vld.idx.msk [tilespmem:v10+s13+$0x0], $0xffff  }
0xa6: {  	s25 =	simm.s32 $0x40;
	v20 =	vshll.u32 v23, $0x10;
	v10 =	vmul.f32 v25, v19;
	v19 =	vand.u32 $0xFFFF0000, v23;
	v11 =	vld.idx.msk [tilespmem:v22+s2+$0x0], $0xffff  }
.LBB2_7:
0xa7: {  	s25 =	sadd.s32 $0x10, s25;
	v22 =	vshll.u32 v16, $0x1;
	v23 =	vshll.u32 v14, $0x10;
	v24 =	vor.u32 $0x180, v2;
	[tilespmem:v9+s19+$0x0] =	vst.idx.add.f32.msk $0xffff, v21;
	v25 =	vmovc v3;
	v3 =	vmovc v13  }
0xa8: {  	s24 =	sadd.s32 $0x10, s24;
	v13 =	vand.u32 $0xFFFF0000, v14;
	v9 =	vor.u32 $0x80, v2;
	v2 =	vmovc v15;
	p0 =	slt.u32 s25, $0xF90;
	v26 =	vld.idx.msk [tilespmem:v18+s2+$0x0], $0xffff;
	v20 =	vmul.f32 v20, v23  }
0xa9: {  	v14 =	vshrl.u32 v16, $0xE;
	v15 =	vshrl.u32 v16, $0xD;
	s23 =	sadd.s32 $0x10, s23;
	v21 =	vor.u32 $0x100, v2;
	[tilespmem:v1+s19+$0x0] =	vst.idx.add.f32.msk $0xffff, v10;
	v1 =	vmovc v24  }
0xaa: {  	v15 =	vand.u32 $0x7FF00, v15;
	v19 =	vmul.f32 v19, v13;
	v10 =	vand.u32 $0x7F, v14;
	v23 =	vld [tilespmem:s23+$0x0]  }
0xab: {  	v13 =	vand.u32 $0x7F, v16;
	v14 =	vld.idx.msk [tilespmem:v12+s13+$0x0], $0xffff;
	v12 =	vor.u32 v10, v15;
	v10 =	vshll.u32 v5, $0x10  }
.Ltmp2:
0xac: {  	v15 =	vand.u32 $0x7F00, v22;
	v22 =	vand.u32 $0x7F, v7;
	v24 =	vand.u32 $0xFFFF0000, v11;
	v7 =	vmovc v8;
	v16 =	vld [tilespmem:s24+$0x0];
	(pc) =	sbr.rel @p0 .LBB2_7-.Ltmp2, $4  }
0xad: {  	v28 =	vshll.u32 v11, $0x10;
	v18 =	vor.u32 v13, v15;
	v27 =	vor.u32 $0x80, v12;
	[tilespmem:v2+s19+$0x0] =	vst.idx.add.f32.msk $0xffff, v20  }
0xae: {  	v11 =	vand.u32 $0xFFFF0000, v5;
	v13 =	vor.u32 $0x80, v18;
	v20 =	vshll.u32 v26, $0x10;
	[tilespmem:v21+s19+$0x0] =	vst.idx.add.f32.msk $0xffff, v19  }
0xaf: {  	v15 =	vand.u32 $0xFFFFFE00, v17;
	v21 =	vmul.f32 v28, v10;
	v10 =	vmul.f32 v24, v11;
	v5 =	vld.idx.msk [tilespmem:v4+s13+$0x0], $0xffff;
	v8 =	vmovc v23  }
0xb0: {  	v17 =	vshll.u32 v7, $0x2;
	v15 =	vor.u32 v22, v15;
	v19 =	vand.u32 $0xFFFF0000, v26;
	v4 =	vmovc v6;
	v6 =	vmovc v27;
	v11 =	vld.idx.msk [tilespmem:v25+s2+$0x0], $0xffff  }
0xb1: {  	_ = 	snop  }
0xb2: {  	v22 =	vshll.u32 v16, $0x1;
	v23 =	vshrl.u32 v16, $0xE  }
0xb3: {  	v24 =	vshrl.u32 v16, $0xD;
	v63 =	vand.u32 $0x7F, v16;
	v22 =	vand.u32 $0x7F00, v22  }
0xb4: {  	v23 =	vand.u32 $0x7F, v23;
	v24 =	vand.u32 $0x7FF00, v24;
	v16 =	vor.u32 v63, v22  }
0xb5: {  	v26 =	vshll.u32 v14, $0x10;
	v18 =	vld.idx.msk [tilespmem:v18+s2+$0x0], $0xffff;
	v23 =	vor.u32 v23, v24  }
0xb6: {  	v27 =	vor.u32 $0x100, v15;
	v12 =	vld.idx.msk [tilespmem:v12+s13+$0x0], $0xffff;
	v20 =	vmul.f32 v20, v26  }
0xb7: {  	[tilespmem:v9+s19+$0x0] =	vst.idx.add.f32.msk $0xffff, v21  }
0xb8: {  	v28 =	vand.u32 $0xFFFF0000, v14;
	v7 =	vand.u32 $0x7F, v7;
	v29 =	vand.u32 $0xFFFFFE00, v17;
	[tilespmem:v15+s19+$0x0] =	vst.idx.add.f32.msk $0xffff, v20  }
0xb9: {  	v9 =	vmul.f32 v19, v28;
	v7 =	vor.u32 v7, v29;
	v30 =	vld.idx.msk [tilespmem:v16+s2+$0x0], $0xffff  }
0xba: {  	v32 =	vshll.u32 v8, $0x2;
	v37 =	vand.u32 $0x7F, v8;
	v33 =	vor.u32 $0x100, v7;
	v34 =	vld.idx.msk [tilespmem:v23+s13+$0x0], $0xffff  }
0xbb: {  	v38 =	vand.u32 $0xFFFFFE00, v32;
	v31 =	vshll.u32 v18, $0x10;
	[tilespmem:v27+s19+$0x0] =	vst.idx.add.f32.msk $0xffff, v9;
	v36 =	vshll.u32 v12, $0x10  }
0xbc: {  	v35 =	vand.u32 $0xFFFF0000, v18;
	v12 =	vand.u32 $0xFFFF0000, v12;
	v4 =	vld.idx.msk [tilespmem:v4+s13+$0x0], $0xffff;
	v17 =	vmul.f32 v31, v36  }
0xbd: {  	v8 =	vor.u32 v37, v38;
	v3 =	vld.idx.msk [tilespmem:v3+s2+$0x0], $0xffff;
	v9 =	vmul.f32 v35, v12  }
0xbe: {  	v39 =	vor.u32 $0x80, v23;
	v40 =	vor.u32 $0x100, v8;
	[tilespmem:v7+s19+$0x0] =	vst.idx.add.f32.msk $0xffff, v17  }
0xbf: {  	v16 =	vor.u32 $0x80, v16;
	[tilespmem:v33+s19+$0x0] =	vst.idx.add.f32.msk $0xffff, v9;
	v41 =	vshll.u32 v30, $0x10;
	v42 =	vshll.u32 v34, $0x10  }
0xc0: {  	v6 =	vld.idx.msk [tilespmem:v6+s13+$0x0], $0xffff;
	v14 =	vand.u32 $0xFFFF0000, v30;
	v43 =	vand.u32 $0xFFFF0000, v34;
	v9 =	vmul.f32 v41, v42  }
0xc1: {  	v44 =	vor.u32 $0x180, v2;
	v13 =	vld.idx.msk [tilespmem:v13+s2+$0x0], $0xffff;
	v14 =	vmul.f32 v14, v43  }
0xc2: {  	v2 =	vor.u32 $0x80, v2;
	v50 =	vor.u32 $0x180, v15;
	v51 =	vor.u32 $0x80, v15;
	[tilespmem:v8+s19+$0x0] =	vst.idx.add.f32.msk $0xffff, v9  }
0xc3: {  	v54 =	vor.u32 $0x80, v7;
	v45 =	vshll.u32 v5, $0x10;
	v48 =	vand.u32 $0xFFFF0000, v5;
	[tilespmem:v40+s19+$0x0] =	vst.idx.add.f32.msk $0xffff, v14  }
0xc4: {  	v58 =	vor.u32 $0x80, v8;
	v46 =	vshll.u32 v11, $0x10;
	v47 =	vand.u32 $0xFFFF0000, v11;
	v12 =	vld.idx.msk [tilespmem:v39+s13+$0x0], $0xffff  }
0xc5: {  	v60 =	vor.u32 $0x180, v8;
	v49 =	vmul.f32 v46, v45;
	v5 =	vmul.f32 v47, v48;
	v16 =	vld.idx.msk [tilespmem:v16+s2+$0x0], $0xffff  }
0xc6: {  	[tilespmem:v1+s19+$0x0] =	vst.idx.add.f32.msk $0xffff, v10;
	v52 =	vshll.u32 v4, $0x10;
	v53 =	vand.u32 $0xFFFF0000, v3;
	v3 =	vshll.u32 v3, $0x10  }
0xc7: {  	[tilespmem:v2+s19+$0x0] =	vst.idx.add.f32.msk $0xffff, v49;
	v2 =	vor.u32 $0x180, v7;
	v1 =	vand.u32 $0xFFFF0000, v4;
	v3 =	vmul.f32 v3, v52  }
0xc8: {  	s22 =	sadd.s32 $0x1, s22;
	[tilespmem:v44+s19+$0x0] =	vst.idx.add.f32.msk $0xffff, v5;
	v1 =	vmul.f32 v53, v1;
	v55 =	vshll.u32 v6, $0x10;
	v57 =	vshll.u32 v13, $0x10  }
0xc9: {  	p0 =	sne.s32 s22, $0x28;
	[tilespmem:v51+s19+$0x0] =	vst.idx.add.f32.msk $0xffff, v3;
	v56 =	vand.u32 $0xFFFF0000, v13;
	v3 =	vand.u32 $0xFFFF0000, v6;
	v59 =	vmul.f32 v57, v55  }
.Ltmp3:
0xca: {  	[tilespmem:v50+s19+$0x0] =	vst.idx.add.f32.msk $0xffff, v1;
	v1 =	vmul.f32 v56, v3;
	v3 =	vshll.u32 v12, $0x10;
	v61 =	vshll.u32 v16, $0x10;
	(pc) =	sbr.rel @p0 .LBB2_4-.Ltmp3, $4  }
0xcb: {  	[tilespmem:v54+s19+$0x0] =	vst.idx.add.f32.msk $0xffff, v59;
	v62 =	vand.u32 $0xFFFF0000, v16;
	v63 =	vand.u32 $0xFFFF0000, v12;
	v3 =	vmul.f32 v61, v3  }
0xcc: {  	[tilespmem:v2+s19+$0x0] =	vst.idx.add.f32.msk $0xffff, v1;
	v1 =	vmul.f32 v62, v63  }
0xcd: {  	[tilespmem:v58+s19+$0x0] =	vst.idx.add.f32.msk $0xffff, v3  }
0xce: {  	[tilespmem:v60+s19+$0x0] =	vst.idx.add.f32.msk $0xffff, v1  }
0xcf: {  	s22 =	simm.s32 $0x5000  }
0xd0: {  	s23 =	simm.s32 $0x80;
	s25 =	sadd.s32 $0x0, s7;
	s24 =	simm.s32 $0x5200  }
.LBB2_10:
0xd1: {  	[hbm4b:s25+s2] =	stream.linear.scatter [tilespmem:s22], [sflag:$0x3], $0x100, $0x38;
	[tilespmem:$0x14000] =	vst v63  }
0xd2: {  	s25 =	smov.u32 s23;
	s22 =	smov.u32 s24;
	p0 =	sne.s32 s23, $0x2780  }
.Ltmp4:
0xd3: {  	s23 =	sadd.s32 $0x80, s23;
	(pc) =	sbr.rel @p0 .LBB2_10-.Ltmp4, $2  }
0xd4: {  	_ =	sdelay $0x2  }
0xd5: {  	s24 =	sadd.s32 $0x200, s24;
	s25 =	sadd.s32 s25, s7  }
0xd6: {  	[hbm4b:s25+s2] =	stream.linear.scatter [tilespmem:s22], [sflag:$0x3], $0x100, $0x38;
	[tilespmem:$0x14000] =	vst v63  }
0xd7: {  	_ =	swait.ge [sflag:s12], $0x5000  }
0xd8: {  	s22 =	simm.s32 $0x5100;
	s23 =	simm.s32 $0x80;
	[sflag:s12] =	ssyncset.done $0x0  }
0xd9: {  	s25 =	sadd.s32 $0x0, s8;
	s24 =	simm.s32 $0x5300;
	[sflag:s12] =	ssyncadd.s32 $0xFFFFB000  }
.LBB2_12:
0xda: {  	[hbm4b:s25+s2] =	stream.linear.scatter [tilespmem:s22], [sflag:$0x3], $0x100, $0x38;
	[tilespmem:$0x14000] =	vst v63  }
0xdb: {  	s25 =	smov.u32 s23;
	s22 =	smov.u32 s24;
	p0 =	sne.s32 s23, $0x2780  }
.Ltmp5:
0xdc: {  	s23 =	sadd.s32 $0x80, s23;
	(pc) =	sbr.rel @p0 .LBB2_12-.Ltmp5, $2  }
0xdd: {  	_ =	sdelay $0x2  }
0xde: {  	s24 =	sadd.s32 $0x200, s24;
	s25 =	sadd.s32 s25, s8  }
0xdf: {  	s21 =	sadd.s32 $0x1, s21  }
0xe0: {  	p0 =	sne.s32 s21, s9  }
.Ltmp6:
0xe1: {  	_ = 	snop;
	(pc) =	sbr.rel @p0 .LBB2_1-.Ltmp6, $4  }
0xe2: {  	[hbm4b:s25+s2] =	stream.linear.scatter [tilespmem:s22], [sflag:$0x3], $0x100, $0x38;
	[tilespmem:$0x14000] =	vst v63  }
0xe3: {  	_ =	swait.ge [sflag:s12], $0x5000  }
0xe4: {  	[sflag:s12] =	ssyncset.done $0x0  }
0xe5: {  	[sflag:s12] =	ssyncadd.s32 $0xFFFFB000  }
0xe6: {  	_ =	sfence.sel $0x180000  }
0xe7: {  	[bflag:$0x0] =	sbarrier.arrive $0xFFFF  }
0xe8: {  	p0 =	sne.s32 s1, $0x0;
	_ =	strace $0x9000004A  }
0xe9: {  	s0 =	sadd.s32 @!p0 $0x100000, s0;
	[bflag:$0x2] =	sbarrier.arrive $0xFFFF  }
0xea: {  	[sflag:s0] =	ssyncadd.tile.s32 @!p0 $0x1;
	_ =	shalt  }
.Lfunc_end2:
_tile_overlayer_lowered:
.L_overlay_start_2:
0xeb: {  	(tag) =	ssettag $0x2  }
0xec: {  	s0 =	rddreg [dreg:$0x0];
	s2 =	stileid.u32  }
0xed: {  	s1 =	rddreg [dreg:$0x1];
	p0 =	sne.s32 s2, $0x0  }
0xee: {  	s3 =	rddreg [dreg:$0x2];
	[bflag:$0x3] =	sbarrier.arrive $0xFFFF;
	s2 =	simm.s32 @!p0 $0x1C03  }
0xef: {  	[timem:s3], [sflag:s2] =	dma.local @!p0 [hbm:s0], s1  }
0xf0: {  	s0 =	simm.s32 @!p0 $0x3  }
0xf1: {  	_ =	swait.ge @!p0 [sflag:s0], s1  }
0xf2: {  	s1 =	ssub.s32 @!p0 $0x0, s1;
	[sflag:s0] =	ssyncset.done @!p0 $0x0  }
0xf3: {  	[sflag:s0] =	ssyncadd.s32 @!p0 s1  }
0xf4: {  	[bflag:$0x3] =	sbarrier.arrive $0xFFFF  }
0xf5: {  	_ =	shalt  }

// kernel: kernel.8.cloned.1.call-start
scs
__scs_entry_jumppad:
0x0: {  	(pc) =	sbr.rel $0x88, $3  }
0x1: {  	(tag) =	ssettag $0x0;
	lr =	simm.s32 $0x1  }
0x2: {  	[smem:$0x3F96] =	sst lr;
	_ =	strace $0xD0000000  }
0x3: {  	_ = 	snop  }
0x4: {  	_ = 	snop  }
0x5: {  	_ = 	snop  }
0x6: {  	_ = 	snop  }
0x7: {  	_ = 	snop  }
__scs_overlays_trampoline_lowered:
0x8: {  	[smem:$0x3FA5] =	sst s0  }
0x9: {  	[smem:$0x3FA6] =	sst s1  }
0xa: {  	[smem:$0x3FA7] =	sst s2  }
0xb: {  	[smem:$0x3FA8] =	sst s3  }
0xc: {  	[smem:$0x3FA9] =	sst s4  }
0xd: {  	[smem:$0x3FAA] =	sst s5  }
0xe: {  	[smem:$0x3FAB] =	sst s6  }
0xf: {  	[smem:$0x3FAC] =	sst s7  }
0x10: {  	[smem:$0x3FAD] =	sst s8  }
0x11: {  	[smem:$0x3FAE] =	sst s9;
	s0 =	simm.s32 @!p0 $0x0  }
0x12: {  	s1 =	sld [smem:$0x3F94];
	s0 =	simm.s32 @p0 $0x1  }
0x13: {  	[smem:$0x3FAF] =	sst s0;
	s0 =	simm.s32 @!p1 $0x0  }
0x14: {  	s2 =	sld [smem:$0x3F93];
	s0 =	simm.s32 @p1 $0x1  }
0x15: {  	[smem:$0x3FB0] =	sst s0;
	s0 =	simm.s32 @!p2 $0x0  }
0x16: {  	s3 =	sld [smem:$0x3FDB];
	s0 =	simm.s32 @p2 $0x1  }
0x17: {  	s4 =	simm.s32 $0x1BF5;
	[smem:$0x3FB2] =	sst s0  }
0x18: {  	s0 =	sld [smem:$0x3F95];
	_ =	swait.ge [sflag:s4], $0x0  }
0x19: {  	s7 =	sld [smem:$0x3F96]  }
0x1a: {  	s8 =	sadd.s32 $0xFFFFE003, lr  }
0x1b: {  	s9 =	sadd.s32 $0xFFFFFEF7, lr;
	s5 =	simm.s32 $0xFFFFFFFF;
	p2 =	slt.u32 s8, $0xFFFFF086  }
0x1c: {  	p1 =	slt.u32 s9, $0xF7A;
	s5 =	simm.s32 @!p2 $0x0  }
0x1d: {  	s5 =	simm.s32 @p1 $0x1;
	p0 =	seq.s32 s7, s2  }
0x1e: {  	s7 =	smul.u32 @!p0 $0xF7A, s2;
	p2 =	seq.s32 @!p0 s5, $0x0  }
0x1f: {  	s9 =	smul.u32 $0xF7A, s1;
	s8 =	simm.s32 @!p0 $0x1BF5;
	p2 =	por !p2, p0  }
0x20: {  	[sflag:s8] =	ssyncset.s32 @!p0 $0xFFFFF086;
	s6 =	sadd.s32 @!p0 s3, s7;
	s7 =	simm.s32 @!p0 $0x108  }
0x21: {  	s3 =	sadd.s32 s3, s9;
	s6 =	sadd.s32 @!p0 $0x88, s6;
	s7 =	simm.s32 @p2 $0x1082  }
0x22: {  	[simem:s7], [sflag:s8] =	dma.local @!p0 [hbm:s6], $0xF7A  }
0x23: {  	s9 =	sor.u32 $0xD0000000, s2;
	s6 =	simm.s32 $0x108;
	_ =	swait.ge @!p0 [sflag:s8], $0x0  }
0x24: {  	s3 =	sadd.s32 $0x88, s3;
	s6 =	simm.s32 @!p1 $0x1082;
	[sflag:s4] =	ssyncset.s32 $0xFFFFF086  }
0x25: {  	[simem:s6], [sflag:s4] =	dma.local [hbm:s3], $0xF7A  }
0x26: {  	[smem:$0x3F96] =	sst s1;
	(tag) =	ssettag s2;
	_ =	strace s9  }
0x27: {  	s1 =	sld [smem:$0x3FA6]  }
0x28: {  	s2 =	sld [smem:$0x3FA7]  }
0x29: {  	s4 =	sld [smem:$0x3FA9]  }
0x2a: {  	p0 =	seq.s32 s5, $0x0;
	s5 =	sld [smem:$0x3FAA]  }
0x2b: {  	s6 =	sld [smem:$0x3FAB]  }
0x2c: {  	s7 =	sld [smem:$0x3FAC]  }
0x2d: {  	s3 =	simm.s32 $0x108;
	s8 =	sld [smem:$0x3FAD]  }
0x2e: {  	s3 =	simm.s32 @!p0 $0x1082;
	s9 =	sld [smem:$0x3FAE]  }
0x2f: {  	lr =	sadd.s32 s0, s3;
	s0 =	sld [smem:$0x3FA5]  }
0x30: {  	s3 =	sld [smem:$0x3FA8]  }
0x31: {  	[smem:$0x3FB1] =	sst s10  }
0x32: {  	s10 =	sld [smem:$0x3FAF];
	_ =	sdelay $0x3  }
0x33: {  	p0 =	seq.s32 s10, $0x1;
	s10 =	sld [smem:$0x3FB1];
	_ =	sdelay $0x3  }
0x34: {  	[smem:$0x3FB1] =	sst s10  }
0x35: {  	s10 =	sld [smem:$0x3FB0];
	_ =	sdelay $0x3  }
0x36: {  	p1 =	seq.s32 s10, $0x1;
	s10 =	sld [smem:$0x3FB1];
	_ =	sdelay $0x3  }
0x37: {  	[smem:$0x3FB1] =	sst s10  }
0x38: {  	s10 =	sld [smem:$0x3FB2]  }
0x39: {  	_ = 	snop;
	(pc) =	sbr.ind lr, $3  }
0x3a: {  	_ = 	snop  }
0x3b: {  	_ = 	snop  }
0x3c: {  	p2 =	seq.s32 s10, $0x1;
	s10 =	sld [smem:$0x3FB1]  }
0x3d: {  	_ =	shalt  }
0x3e: {  	_ =	shalt  }
0x3f: {  	_ =	shalt  }
0x40: {  	_ =	shalt  }
0x41: {  	_ =	shalt  }
0x42: {  	_ =	shalt  }
0x43: {  	_ =	shalt  }
0x44: {  	_ =	shalt  }
0x45: {  	_ =	shalt  }
0x46: {  	_ =	shalt  }
0x47: {  	_ =	shalt  }
0x48: {  	_ =	shalt  }
0x49: {  	_ =	shalt  }
0x4a: {  	_ =	shalt  }
0x4b: {  	_ =	shalt  }
0x4c: {  	_ =	shalt  }
0x4d: {  	_ =	shalt  }
0x4e: {  	_ =	shalt  }
0x4f: {  	_ =	shalt  }
0x50: {  	_ =	shalt  }
0x51: {  	_ =	shalt  }
0x52: {  	_ =	shalt  }
0x53: {  	_ =	shalt  }
0x54: {  	_ =	shalt  }
0x55: {  	_ =	shalt  }
0x56: {  	_ =	shalt  }
0x57: {  	_ =	shalt  }
0x58: {  	_ =	shalt  }
0x59: {  	_ =	shalt  }
0x5a: {  	_ =	shalt  }
0x5b: {  	_ =	shalt  }
0x5c: {  	_ =	shalt  }
0x5d: {  	_ =	shalt  }
0x5e: {  	_ =	shalt  }
0x5f: {  	_ =	shalt  }
0x60: {  	_ =	shalt  }
0x61: {  	_ =	shalt  }
0x62: {  	_ =	shalt  }
0x63: {  	_ =	shalt  }
0x64: {  	_ =	shalt  }
0x65: {  	_ =	shalt  }
0x66: {  	_ =	shalt  }
0x67: {  	_ =	shalt  }
0x68: {  	_ =	shalt  }
0x69: {  	_ =	shalt  }
0x6a: {  	_ =	shalt  }
0x6b: {  	_ =	shalt  }
0x6c: {  	_ =	shalt  }
0x6d: {  	_ =	shalt  }
0x6e: {  	_ =	shalt  }
0x6f: {  	_ =	shalt  }
0x70: {  	_ =	shalt  }
0x71: {  	_ =	shalt  }
0x72: {  	_ =	shalt  }
0x73: {  	_ =	shalt  }
0x74: {  	_ =	shalt  }
0x75: {  	_ =	shalt  }
0x76: {  	_ =	shalt  }
0x77: {  	_ =	shalt  }
0x78: {  	_ =	shalt  }
0x79: {  	_ =	shalt  }
0x7a: {  	_ =	shalt  }
0x7b: {  	_ =	shalt  }
0x7c: {  	_ =	shalt  }
0x7d: {  	_ =	shalt  }
0x7e: {  	_ =	shalt  }
0x7f: {  	_ =	shalt  }
0x80: {  	_ =	shalt  }
0x81: {  	_ =	shalt  }
0x82: {  	_ =	shalt  }
0x83: {  	_ =	shalt  }
0x84: {  	_ =	shalt  }
0x85: {  	_ =	shalt  }
0x86: {  	_ =	shalt  }
0x87: {  	_ =	shalt  }
.Lfunc_end0:
.L_simem_size_0:
called_computation_lowered:
.L_overlay_start_0:
0x88: {  	s2 =	sld [smem:$0x3FD9]  }
0x89: {  	s3 =	sld [smem:$0x3FFE];
	_ =	sdelay $0x1  }
0x8a: {  	s1 =	srdreg.scid  }
0x8b: {  	s0 =	sand.u32 $0x1, s1  }
0x8c: {  	s14 =	sshll.u32 s0, $0xA;
	s2 =	sadd.s32 s3, s2  }
0x8d: {  	s2 =	sadd.s32 s2, s14  }
0x8e: {  	[smem:$0x3FBD] =	sst s2  }
0x8f: {  	_ = 	snop  }
0x90: {  	s2 =	sld [smem:$0x3FD0];
	_ =	sdelay $0x2  }
0x91: {  	s15 =	simm.s32 $0xA;
	s4 =	simm.s32 $0x10  }
0x92: {  	[smem:s4], [sflag:s15] =	dma.local [hbm:s2], $0x1  }
0x93: {  	_ =	swait.eq [sflag:s15], $0x1  }
0x94: {  	[sflag:s15] =	ssyncset.done $0x0  }
0x95: {  	[sflag:s15] =	ssyncadd.s32 $0xFFFFFFFF  }
0x96: {  	s16 =	sld [smem:$0x11];
	(tm) =	ssettm $0x1  }
0x97: {  	s17 =	sld [smem:$0x3FFB];
	_ =	sdelay $0x3  }
0x98: {  	_ =	strace s17  }
0x99: {  	s3 =	sld [smem:$0x3FFC];
	_ =	sdelay $0x3  }
0x9a: {  	_ =	strace s3  }
0x9b: {  	s3 =	sld [smem:$0x3FFD];
	_ =	sdelay $0x3  }
0x9c: {  	_ =	strace s3  }
0x9d: {  	_ =	strace $0x8FFFFFFF  }
0x9e: {  	s18 =	sld [smem:$0x3FDB];
	_ =	sdelay $0x1  }
0x9f: {  	s19 =	simm.s32 $_scs_section_size  }
0xa0: {  	s5 =	simm.s32 $_size__tile_overlayer_lowered;
	s6 =	simm.s32 $_tile_overlayer_lowered  }
0xa1: {  	s22 =	simm.s32 $0x1BFF;
	s21 =	sshll.u32 s6, $0x1;
	s3 =	sadd.s32 s19, s18  }
0xa2: {  	s7 =	simm.s32 $0x0;
	s20 =	sshll.u32 s5, $0x1;
	s5 =	sadd.s32 s21, s3  }
0xa3: {  	[timem:s7], [sflag:s22] =	dma.local [hbm:s5], s20  }
0xa4: {  	_ =	swait.ge [sflag:s22], s20  }
0xa5: {  	s4 =	ssub.s32 $0x0, s20;
	[sflag:s22] =	ssyncset.done $0x0  }
0xa6: {  	[sflag:s22] =	ssyncadd.s32 s4;
	_ =	sdelay $0x1  }
0xa7: {  	s23 =	simm.s32 $0x1B8B  }
0xa8: {  	_ =	swait.ge [sflag:s23], $0x1  }
0xa9: {  	[sflag:s23] =	ssyncset.done $0x0  }
0xaa: {  	s25 =	simm.s32 $0x1B8E;
	s24 =	sld [smem:$0x3FFE];
	[sflag:s23] =	ssyncadd.s32 $0xFFFFFFFF  }
0xab: {  	s26 =	simm.s32 $execute0_lowered;
	[smem:$0x3FD2] =	sst s25  }
0xac: {  	s5 =	sshll.u32 s26, $0x1;
	_ =	strace $0x80000046;
	[dreg:$0x1] =	wrdreg $0xFFFFFFFF  }
0xad: {  	s28 =	simm.s32 $_size_execute0_lowered;
	s3 =	sadd.s32 s3, s5;
	[dreg:$0x0] =	wrdreg $0x0  }
0xae: {  	s5 =	sshll.u32 s28, $0x1;
	[dreg:$0x2] =	wrdreg s3  }
0xaf: {  	[dreg:$0x3] =	wrdreg s5  }
0xb0: {  	[dreg:$0x4] =	wrdreg $0xC0  }
0xb1: {  	_ =	task [dreg:s7], $0x5FFFF  }
0xb2: {  	[dreg:$0x1] =	wrdreg $0xFFFFFFFF  }
0xb3: {  	[dreg:$0x0] =	wrdreg $0x60  }
0xb4: {  	[dreg:$0x2] =	wrdreg s24  }
0xb5: {  	[dreg:$0x3] =	wrdreg s16  }
0xb6: {  	[dreg:$0x4] =	wrdreg $0x9  }
0xb7: {  	_ =	task.clear_ibuf [dreg:s7], $0x5FFFF;
	_ =	strace $0x90000046  }
0xb8: {  	s29 =	simm.s32 $0x9;
	_ =	strace $0x80000048  }
0xb9: {  	_ =	swait.ge [sflag:s29], $0x1  }
0xba: {  	[sflag:s29] =	ssyncadd.s32 $0xFFFFFFFF  }
0xbb: {  	_ =	strace $0x90000048  }
0xbc: {  	_ =	sfence  }
0xbd: {  	s30 =	sld [smem:$0x0];
	_ =	sdelay $0x2  }
0xbe: {  	s31 =	sshll.u32 s1, $0xD;
	s1 =	sshrl.u32 s1, $0x2  }
0xbf: {  	s3 =	sand.u32 $0x4000, s31;
	s1 =	sadd.s32 s1, s30  }
0xc0: {  	s0 =	sor.u32 s3, s0;
	s1 =	sshll.u32 s1, $0x11  }
0xc1: {  	s0 =	sor.u32 s1, s0  }
0xc2: {  	s0 =	sadd.s32 $0x8F2B, s0  }
0xc3: {  	[sflag:s0] =	ssyncadd.remote.s32 $0x1  }
0xc4: {  	_ =	sfence.sel $0xFFFF  }
0xc5: {  	[dreg:$0x0] =	wrdreg $0xFFFFFFFF;
	(pc) =	sbr.abs _section_cstart, $3  }
0xc6: {  	[dreg:$0x1] =	wrdreg $0xFFFFFFFF  }
0xc7: {  	_ =	task.clear_ibuf [dreg:s7], $0x2FFFF;
	_ =	strace $0x9FFFFFFF  }
0xc8: {  	(tm) =	ssettm $0x7FFFFFFF  }
0xc9: {  	_ =	shalt  }
tec
execute0_lowered:
.L_overlay_start_1:
0x0: {  	(tag) =	ssettag $0x1  }
0x1: {  	s4 =	rddreg [dreg:$0x0];
	s1 =	srdreg.scid  }
0x2: {  	s0 =	stileid.u32;
	s2 =	rddreg [dreg:$0x1];
	s11 =	simm.s32 $0x1  }
0x3: {  	s12 =	simm.s32 $0x2780;
	s13 =	simm.s32 $0x4F00;
	s14 =	simm.s32 $0x7680  }
0x4: {  	s15 =	simm.s32 $0x9E00;
	s16 =	simm.s32 $0xED00;
	s17 =	simm.s32 $0xC580  }
0x5: {  	s18 =	simm.s32 $0x80;
	s19 =	simm.s32 $0x400;
	s20 =	simm.s32 $0x0  }
0x6: {  	s5 =	sand.u32 $0x1, s1;
	s3 =	sshll.u32 s0, $0x1;
	s1 =	rddreg [dreg:$0x2]  }
0x7: {  	s7 =	sshrl.u32 s0, $0x2;
	s6 =	sor.u32 s5, s3;
	s3 =	simm.s32 $0x0  }
0x8: {  	s7 =	smul.u32 $0x14000, s7;
	s5 =	ssub.s32 $0x2, s5;
	s8 =	sshll.u32 s6, $0x7  }
0x9: {  	[smem:$0x7FF] =	sst s3;
	s6 =	smul.u32 $0x2710, s6;
	s31 =	sshrl.u32 s5, $0x1  }
0xa: {  	s8 =	sand.u32 $0x380, s8;
	_ =	strace $0x80000047;
	s10 =	ssub.s32 s5, s31  }
0xb: {  	s5 =	sadd.s32 $0x9C4, s2;
	s7 =	sor.u32 s7, s8;
	s6 =	sshrl.u32 s6, $0x3  }
0xc: {  	s10 =	smax.u32 s10, $0x1;
	s7 =	sshrl.u32 s7, $0x3;
	s30 =	sadd.s32 s6, s4  }
0xd: {  	s9 =	sadd.s32 s7, s4;
	s4 =	sadd.s32 $0x4E2, s2;
	s6 =	sadd.s32 $0x3400, s30  }
0xe: {  	v0 =	vimm.f32 $0.0e+00;
	v1 =	vimm.f32 $1.000000000e+00;
	s7 =	sadd.s32 $0xD040, s30;
	s8 =	sadd.s32 $0x16E00, s30;
	s9 =	sadd.s32 $0x20C00, s9  }
.LBB2_1:
0xf: {  	[tilespmem:s3], [sflag:$0x1] =	stream.linear.gather [hbm4b:s2+s3], $0x2710, $0x38;
	[tilespmem:$0x11500] =	vst v63  }
0x10: {  	_ =	swait.ge [sflag:s11], $0x2710  }
0x11: {  	[sflag:s11] =	ssyncset.done $0x0  }
0x12: {  	[sflag:s11] =	ssyncadd.s32 $0xFFFFD8F0  }
0x13: {  	[tilespmem:s12], [sflag:$0x1] =	stream.linear.gather [hbm4b:s4+s3], $0x2710, $0x38;
	[tilespmem:$0x11500] =	vst v63  }
0x14: {  	_ =	swait.ge [sflag:s11], $0x2710  }
0x15: {  	[sflag:s11] =	ssyncset.done $0x0  }
0x16: {  	[sflag:s11] =	ssyncadd.s32 $0xFFFFD8F0  }
0x17: {  	[tilespmem:s13], [sflag:$0x1] =	stream.linear.gather [hbm4b:s5+s3], $0x2710, $0x38;
	[tilespmem:$0x11500] =	vst v63  }
0x18: {  	_ =	swait.ge [sflag:s11], $0x2710  }
0x19: {  	[sflag:s11] =	ssyncset.done $0x0  }
0x1a: {  	[sflag:s11] =	ssyncadd.s32 $0xFFFFD8F0  }
0x1b: {  	[tilespmem:s14], [sflag:$0x1] =	stream.linear.gather [hbm4b:s6+s3], $0x2710, $0x38;
	[tilespmem:$0x11500] =	vst v63  }
0x1c: {  	_ =	swait.ge [sflag:s11], $0x2710  }
0x1d: {  	[sflag:s11] =	ssyncset.done $0x0  }
0x1e: {  	[sflag:s11] =	ssyncadd.s32 $0xFFFFD8F0  }
0x1f: {  	[tilespmem:s15], [sflag:$0x1] =	stream.linear.gather [hbm4b:s7+s3], $0x2710, $0x38;
	[tilespmem:$0x11500] =	vst v63  }
0x20: {  	_ =	swait.ge [sflag:s11], $0x2710  }
0x21: {  	[sflag:s11] =	ssyncset.done $0x0  }
0x22: {  	s22 =	simm.s32 $0xED10;
	[sflag:s11] =	ssyncadd.s32 $0xFFFFD8F0  }
0x23: {  	s23 =	simm.s32 $0x0;
	[tilespmem:s22+$0xFFFFFFF0] =	vst v0  }
.LBB2_2:
0x24: {  	s23 =	sadd.s32 $0x20, s23  }
0x25: {  	[tilespmem:s22+$0x0] =	vst v0;
	s22 =	sadd.s32 $0x20, s22;
	p0 =	slt.u32 s23, $0x27E0  }
.Ltmp0:
0x26: {  	[tilespmem:s22+$0xFFFFFFF0] =	vst v0;
	(pc) =	sbr.rel @p0 .LBB2_2-.Ltmp0, $2  }
0x27: {  	_ =	sdelay $0x2  }
0x28: {  	s21 =	simm.s32 $0xC580;
	s25 =	simm.s32 $0x9E00;
	s24 =	simm.s32 $0x7680  }
0x29: {  	[tilespmem:s22+$0x0] =	vst v0  }
0x2a: {  	v4 =	vld [tilespmem:s25+$0x0];
	_ =	sdelay $0x1  }
0x2b: {  	v2 =	vld [tilespmem:s24+$0x0];
	_ =	sdelay $0x2  }
0x2c: {  	s28 =	simm.s32 $0x9E10  }
0x2d: {  	s29 =	simm.s32 $0x7690;
	v7 =	vld [tilespmem:s28+$0x0]  }
0x2e: {  	v3 =	vld [tilespmem:s29+$0x0]  }
0x2f: {  	v5 =	vld.idx.msk [tilespmem:v4+s12+$0x0], $0xffff  }
0x30: {  	v8 =	vld.idx.msk [tilespmem:v4+s3+$0x0], $0xffff  }
0x31: {  	v10 =	vld.idx.msk [tilespmem:v2+s3+$0x0], $0xffff  }
0x32: {  	v12 =	vld.idx.msk [tilespmem:v2+s12+$0x0], $0xffff  }
0x33: {  	v13 =	vld.idx.msk [tilespmem:v4+s13+$0x0], $0xffff  }
0x34: {  	v14 =	vld.idx.msk [tilespmem:v2+s13+$0x0], $0xffff;
	_ =	sdelay $0x1  }
0x35: {  	s30 =	simm.s32 $0x9E20  }
0x36: {  	v9 =	vld [tilespmem:s30+$0x0]  }
0x37: {  	v6 =	vld.idx.msk [tilespmem:v7+s12+$0x0], $0xffff;
	v8 =	vsub.f32 v10, v8  }
0x38: {  	s31 =	simm.s32 $0x76A0;
	v11 =	vld.idx.msk [tilespmem:v7+s3+$0x0], $0xffff;
	v10 =	vsub.f32 v12, v5;
	v12 =	vsub.f32 v14, v13  }
0x39: {  	v4 =	vld [tilespmem:s31+$0x0];
	v8 =	vmul.f32 v8, v8  }
0x3a: {  	v7 =	vld.idx.msk [tilespmem:v7+s13+$0x0], $0xffff;
	v13 =	vmul.f32 v10, v10;
	v12 =	vmul.f32 v12, v12  }
0x3b: {  	v5 =	vld.idx.msk [tilespmem:v3+s3+$0x0], $0xffff  }
0x3c: {  	v10 =	vld.idx.msk [tilespmem:v3+s12+$0x0], $0xffff;
	v14 =	vadd.f32 v13, v8  }
0x3d: {  	s23 =	simm.s32 $0x20;
	v13 =	vld.idx.msk [tilespmem:v3+s13+$0x0], $0xffff  }
0x3e: {  	s22 =	simm.s32 $0xC580;
	s24 =	simm.s32 $0x9E30;
	s25 =	simm.s32 $0x76B0;
	v8 =	vld.idx.msk [tilespmem:v9+s12+$0x0], $0xffff;
	v14 =	vadd.f32 v12, v14;
	v12 =	vmov v9  }
.LBB2_4:
0x3f: {  	v15 =	vld [tilespmem:s24+$0x0];
	s23 =	sadd.s32 $0x10, s23;
	s21 =	sadd.s32 $0x10, s21;
	v16 =	vmov v4;
	v17 =	vmov v4  }
0x40: {  	p0 =	slt.u32 s23, $0x2700;
	v18 =	vld.idx.msk [tilespmem:v9+s3+$0x0], $0xffff;
	[tilespmem:s22+$0x0] =	vst v14;
	s22 =	smov.u32 s21  }
0x41: {  	v19 =	vsub.f32 v5, v11;
	v20 =	vsub.f32 v10, v6;
	[tilespmem:v2+s16+$0x0] =	vst.idx.add.f32.msk $0xffff, v1;
	v2 =	vmov v3  }
0x42: {  	v3 =	vmov v4;
	v5 =	vld.idx.msk [tilespmem:v4+s3+$0x0], $0xffff  }
.Ltmp1:
0x43: {  	v21 =	vsub.f32 v13, v7;
	v13 =	vmul.f32 v19, v19;
	v14 =	vmul.f32 v20, v20;
	v4 =	vld [tilespmem:s25+$0x0];
	(pc) =	sbr.rel @p0 .LBB2_4-.Ltmp1, $4  }
0x44: {  	v6 =	vmov v8;
	v10 =	vld.idx.msk [tilespmem:v17+s12+$0x0], $0xffff;
	v9 =	vmov v15  }
0x45: {  	v14 =	vadd.f32 v14, v13;
	v17 =	vmul.f32 v21, v21;
	v7 =	vld.idx.msk [tilespmem:v12+s13+$0x0], $0xffff;
	v12 =	vmov v15  }
0x46: {  	v11 =	vmov v18;
	v13 =	vld.idx.msk [tilespmem:v16+s13+$0x0], $0xffff  }
0x47: {  	s24 =	sadd.s32 $0x10, s24;
	s25 =	sadd.s32 $0x10, s25;
	v14 =	vadd.f32 v17, v14;
	v8 =	vld.idx.msk [tilespmem:v15+s12+$0x0], $0xffff  }
0x48: {  	_ =	sdelay $0x3  }
0x49: {  	v9 =	vld.idx.msk [tilespmem:v9+s3+$0x0], $0xffff  }
0x4a: {  	v15 =	vld.idx.msk [tilespmem:v4+s3+$0x0], $0xffff  }
0x4b: {  	v16 =	vld.idx.msk [tilespmem:v4+s12+$0x0], $0xffff  }
0x4c: {  	v12 =	vld.idx.msk [tilespmem:v12+s13+$0x0], $0xffff  }
0x4d: {  	v5 =	vsub.f32 v5, v11;
	v60 =	vld.idx.msk [tilespmem:v4+s13+$0x0], $0xffff;
	v6 =	vsub.f32 v10, v6;
	_ =	sdelay $0x1  }
0x4e: {  	v5 =	vmul.f32 v5, v5;
	v7 =	vsub.f32 v13, v7;
	v6 =	vmul.f32 v6, v6  }
0x4f: {  	v9 =	vsub.f32 v15, v9;
	v8 =	vsub.f32 v16, v8  }
0x50: {  	v5 =	vadd.f32 v6, v5;
	v61 =	vmul.f32 v7, v7  }
0x51: {  	v62 =	vsub.f32 v60, v12;
	v9 =	vmul.f32 v9, v9;
	v8 =	vmul.f32 v8, v8;
	_ =	sdelay $0x1  }
0x52: {  	[tilespmem:s22+$0x0] =	vst v14;
	v5 =	vadd.f32 v61, v5;
	v7 =	vmul.f32 v62, v62;
	v63 =	vadd.f32 v8, v9  }
0x53: {  	s21 =	sadd.s32 $0x10, s21;
	[tilespmem:v2+s16+$0x0] =	vst.idx.add.f32.msk $0xffff, v1  }
0x54: {  	[tilespmem:s21+$0x0] =	vst v5;
	v2 =	vadd.f32 v7, v63  }
0x55: {  	s21 =	sadd.s32 $0x10, s21;
	[tilespmem:v3+s16+$0x0] =	vst.idx.add.f32.msk $0xffff, v1  }
0x56: {  	[tilespmem:s21+$0x0] =	vst v2  }
0x57: {  	[tilespmem:v4+s16+$0x0] =	vst.idx.add.f32.msk $0xffff, v1  }
0x58: {  	[hbm4b:s8+s3] =	stream.linear.scatter [tilespmem:s17], [sflag:$0x1], $0x2710, $0x38;
	[tilespmem:$0x11500] =	vst v63  }
0x59: {  	s20 =	sadd.s32 $0x1, s20;
	_ =	swait.ge [sflag:s11], $0x2710  }
0x5a: {  	p0 =	sne.s32 s20, s10;
	[sflag:s11] =	ssyncset.done $0x0  }
.Ltmp2:
0x5b: {  	[sflag:s11] =	ssyncadd.s32 $0xFFFFD8F0;
	(pc) =	sbr.rel @p0 .LBB2_1-.Ltmp2, $4  }
0x5c: {  	[hbm4b:s9+s18] =	stream.strided.scatter [tilespmem:s16], [sflag:$0x1], $0x2800, s19, s18, $0x38;
	[tilespmem:$0x11500] =	vst v63  }
0x5d: {  	_ =	swait.ge [sflag:s11], $0x2800  }
0x5e: {  	[sflag:s11] =	ssyncset.done $0x0  }
0x5f: {  	[sflag:s11] =	ssyncadd.s32 $0xFFFFD800  }
0x60: {  	_ =	sfence.sel $0x180000  }
0x61: {  	[bflag:$0x0] =	sbarrier.arrive $0xFFFF  }
0x62: {  	p0 =	sne.s32 s0, $0x0;
	_ =	strace $0x90000047  }
0x63: {  	s0 =	sadd.s32 @!p0 $0x100000, s1;
	[bflag:$0x2] =	sbarrier.arrive $0xFFFF  }
0x64: {  	[sflag:s0] =	ssyncadd.tile.s32 @!p0 $0x1;
	_ =	shalt  }
.Lfunc_end2:
_tile_overlayer_lowered:
.L_overlay_start_2:
0x65: {  	(tag) =	ssettag $0x2  }
0x66: {  	s0 =	rddreg [dreg:$0x0];
	s2 =	stileid.u32  }
0x67: {  	s1 =	rddreg [dreg:$0x1];
	p0 =	sne.s32 s2, $0x0  }
0x68: {  	s3 =	rddreg [dreg:$0x2];
	[bflag:$0x3] =	sbarrier.arrive $0xFFFF;
	s2 =	simm.s32 @!p0 $0x1C01  }
0x69: {  	[timem:s3], [sflag:s2] =	dma.local @!p0 [hbm:s0], s1  }
0x6a: {  	s0 =	simm.s32 @!p0 $0x1  }
0x6b: {  	_ =	swait.ge @!p0 [sflag:s0], s1  }
0x6c: {  	s1 =	ssub.s32 @!p0 $0x0, s1;
	[sflag:s0] =	ssyncset.done @!p0 $0x0  }
0x6d: {  	[sflag:s0] =	ssyncadd.s32 @!p0 s1  }
0x6e: {  	[bflag:$0x3] =	sbarrier.arrive $0xFFFF  }
0x6f: {  	_ =	shalt  }

</sc_bundles>
